<compile_context>
chip_gen: v7x
topology: tpu7x:2x2x1
jax: 0.10.2.dev20260603
libtpu: 0.0.44.dev20260713+nightly
codegen_flags: <defaults>
</compile_context>

<pallas_src>
import functools

import jax
import jax.numpy as jnp
from jax import lax
from jax.experimental import pallas as pl
from jax.experimental.pallas import tpu as pltpu
from jax.experimental.pallas import tpu_sc as plsc


_CHUNK = 16
_NBUF = 4


def _make_sc_gather(B, D, n_rows):
    info = plsc.get_sparse_core_info()
    NC, NS = info.num_cores, info.num_subcores
    NW = NC * NS
    assert B % NW == 0
    b_per_w = B // NW
    C = _CHUNK
    NBUF = _NBUF
    assert b_per_w % (C * NBUF) == 0
    n_chunks = b_per_w // C

    mesh = plsc.VectorSubcoreMesh(core_axis_name="c", subcore_axis_name="s")

    @functools.partial(
        pl.kernel,
        mesh=mesh,
        out_type=jax.ShapeDtypeStruct((B, D), jnp.float32),
        scratch_types=[
            pltpu.VMEM((n_chunks, C), jnp.int32),
            pltpu.VMEM((NBUF, C, D), jnp.float32),
            pltpu.SemaphoreType.DMA((NBUF,)),
            pltpu.SemaphoreType.DMA((NBUF,)),
        ],
    )
    def gather_kernel(idx_hbm, table_hbm, out_hbm, idx_v, rows_v, gsem, wsem):
        wid = lax.axis_index("s") * NC + lax.axis_index("c")
        base = wid * b_per_w
        pltpu.sync_copy(idx_hbm.at[wid], idx_v)

        def gather_desc(c, b):
            return pltpu.make_async_copy(table_hbm.at[idx_v.at[c]],
                                         rows_v.at[b], gsem.at[b])

        def wb_desc(c, b):
            return pltpu.make_async_copy(rows_v.at[b],
                                         out_hbm.at[pl.ds(base + c * C, C)],
                                         wsem.at[b])

        for b in range(NBUF - 1):
            gather_desc(b, b).start()

        def body(g, carry):
            for b in range(NBUF):
                c = g * NBUF + b
                gather_desc(c, b).wait()
                wb_desc(c, b).start()
                nxt = c + NBUF - 1
                nb = (b + NBUF - 1) % NBUF

                @pl.when(nxt < n_chunks)
                def _():
                    @pl.when(c >= 1)
                    def _():
                        wb_desc(c - 1, nb).wait()

                    gather_desc(nxt, nb).start()
            return carry

        lax.fori_loop(0, n_chunks // NBUF, body, 0)

        for j in range(NBUF):
            c = n_chunks - NBUF + j
            wb_desc(c, c % NBUF).wait()

    return gather_kernel


@jax.jit
def kernel(positions, weight):
    n_rows, d = weight.shape
    bsz, seq = positions.shape
    B = bsz * seq
    info = plsc.get_sparse_core_info()
    NW = info.num_cores * info.num_subcores
    C = _CHUNK
    idx = positions.reshape(NW, B // (NW * C), C).astype(jnp.int32)
    out = _make_sc_gather(B, d, n_rows)(idx, weight)
    return out.reshape(bsz, seq, d)

# --- scband reference (transcript-rebuilt; emitter-appended) ---
"""Pipeline reference for scband-learned-positional-embedding-82197084111087 (READ-ONLY COPY).

The authoritative reference and input builder live on the scoring server;
editing this copy changes nothing except your own understanding.
"""

import jax, jax.numpy as jnp
import numpy as np

NUM_EMBEDDINGS = 8192
EMBEDDING_DIM = 1024

def setup_inputs(seed: int = 0) -> dict:
    key = jax.random.key(seed)
    k_pos, k_w = jax.random.split(key)
    positions = jax.random.randint(k_pos, (4, 8192), 0, NUM_EMBEDDINGS, dtype=jnp.int64 if jax.config.read('jax_enable_x64') else jnp.int32)
    weight = jax.random.normal(k_w, (NUM_EMBEDDINGS, EMBEDDING_DIM), dtype=jnp.float32) * 0.02
    return {"positions": positions, "weight": weight}

def reference(positions, weight):
    # LearnedPositionalEmbedding.forward: embedding lookup of learned
    # per-position vectors: out[b, s, :] = weight[positions[b, s], :]
    return jnp.take(weight, positions, axis=0)

if __name__ == "__main__":
    import jax
    _d = setup_inputs()
    print(jax.jit(kernel)(*tuple(_d.values())))

</pallas_src>

<mosaic_0001>
#map = affine_map<(d0, d1) -> (0, 0, 0)>
#map1 = affine_map<(d0, d1) -> (0, 0)>
module attributes {stable_mosaic.version = 14 : i64} {
  func.func @gather_kernel(%arg0: i32, %arg1: i32, %arg2: memref<32x64x16xi32, #tpu.memory_space<hbm>>, %arg3: memref<8192x1024xf32, #tpu.memory_space<hbm>>, %arg4: memref<32768x1024xf32, #tpu.memory_space<hbm>>, %arg5: memref<64x16xi32, #tpu.memory_space<vmem>>, %arg6: memref<4x16x1024xf32, #tpu.memory_space<vmem>>, %arg7: memref<4x!tpu.dma_semaphore, #tpu.memory_space<semaphore_mem>>, %arg8: memref<4x!tpu.dma_semaphore, #tpu.memory_space<semaphore_mem>>) attributes {dimension_semantics = [#tpu.dimension_semantics<core_parallel>, #tpu.dimension_semantics<subcore_parallel>], iteration_bounds = array<i64: 2, 16>, scalar_prefetch = 0 : i64, scratch_operands = 4 : i64, tpu.core_type = #tpu.core_type<sc_vector_subcore>, window_params = [{transform_indices = #map}, {transform_indices = #map1}, {transform_indices = #map1}]} {
    %mul3A = arith.constant 2 : i32
    %mul3A_0 = arith.muli %arg1, %mul3A : i32
    %add3A = arith.addi %mul3A_0, %arg0 : i32
    %mul3A_1 = arith.constant 1024 : i32
    %mul3A_2 = arith.muli %add3A, %mul3A_1 : i32
    "tpu.region"() ({
      %run_scoped3A = tpu.sem_alloc : memref<!tpu.dma_semaphore, #tpu.memory_space<semaphore_mem>>
      %dma_start3A_123 = arith.constant 0 : i32
      %dma_start3A_124 = arith.constant 0 : i32
      %dma_start3A_125 = tpu.memref_slice %arg2[%add3A, %dma_start3A_123, %dma_start3A_124] : memref<32x64x16xi32, #tpu.memory_space<hbm>> -> memref<1x64x16xi32, #tpu.memory_space<hbm>>
      %dma_start3A_126 = tpu.memref_squeeze %dma_start3A_125 : memref<1x64x16xi32, #tpu.memory_space<hbm>> -> memref<64x16xi32, #tpu.memory_space<hbm>>
      %dma_start3A_127 = arith.constant 0 : i32
      %dma_start3A_128 = arith.constant 0 : i32
      %dma_start3A_129 = tpu.memref_slice %arg2[%add3A, %dma_start3A_127, %dma_start3A_128] : memref<32x64x16xi32, #tpu.memory_space<hbm>> -> memref<1x64x16xi32, #tpu.memory_space<hbm>>
      %dma_start3A_130 = tpu.memref_squeeze %dma_start3A_129 : memref<1x64x16xi32, #tpu.memory_space<hbm>> -> memref<64x16xi32, #tpu.memory_space<hbm>>
      tpu.enqueue_dma source(%dma_start3A_130 : memref<64x16xi32, #tpu.memory_space<hbm>>) target(%arg5 : memref<64x16xi32, #tpu.memory_space<vmem>>) target_semaphore(%run_scoped3A : memref<!tpu.dma_semaphore, #tpu.memory_space<semaphore_mem>>)
      %dma_wait3A_131 = arith.constant 0 : i32
      %dma_wait3A_132 = arith.constant 0 : i32
      %dma_wait3A_133 = tpu.memref_slice %arg2[%add3A, %dma_wait3A_131, %dma_wait3A_132] : memref<32x64x16xi32, #tpu.memory_space<hbm>> -> memref<1x64x16xi32, #tpu.memory_space<hbm>>
      %dma_wait3A_134 = tpu.memref_squeeze %dma_wait3A_133 : memref<1x64x16xi32, #tpu.memory_space<hbm>> -> memref<64x16xi32, #tpu.memory_space<hbm>>
      %dma_wait3A_135 = arith.constant 0 : i32
      %dma_wait3A_136 = arith.constant 0 : i32
      %dma_wait3A_137 = tpu.memref_slice %arg2[%add3A, %dma_wait3A_135, %dma_wait3A_136] : memref<32x64x16xi32, #tpu.memory_space<hbm>> -> memref<1x64x16xi32, #tpu.memory_space<hbm>>
      %dma_wait3A_138 = tpu.memref_squeeze %dma_wait3A_137 : memref<1x64x16xi32, #tpu.memory_space<hbm>> -> memref<64x16xi32, #tpu.memory_space<hbm>>
      tpu.wait_dma2 semaphore(%run_scoped3A : memref<!tpu.dma_semaphore, #tpu.memory_space<semaphore_mem>>) src(%dma_wait3A_138 : memref<64x16xi32, #tpu.memory_space<hbm>>) dst(%arg5 : memref<64x16xi32, #tpu.memory_space<vmem>>)
      tpu.yield
    }) : () -> ()
    %dma_start3A = arith.constant 0 : i32
    %dma_start3A_3 = arith.constant 0 : i32
    %dma_start3A_4 = arith.constant 0 : i32
    %dma_start3A_5 = arith.constant 0 : i32
    %dma_start3A_6 = arith.constant 0 : i32
    %dma_start3A_7 = tpu.memref_slice %arg6[%dma_start3A_3, %dma_start3A_5, %dma_start3A_6] : memref<4x16x1024xf32, #tpu.memory_space<vmem>> -> memref<1x16x1024xf32, #tpu.memory_space<vmem>>
    %dma_start3A_8 = tpu.memref_squeeze %dma_start3A_7 : memref<1x16x1024xf32, #tpu.memory_space<vmem>> -> memref<16x1024xf32, #tpu.memory_space<vmem>>
    %dma_start3A_9 = arith.constant 0 : i32
    %dma_start3A_10 = tpu.memref_slice %arg5[%dma_start3A, %dma_start3A_9] : memref<64x16xi32, #tpu.memory_space<vmem>> -> memref<1x16xi32, #tpu.memory_space<vmem>>
    %dma_start3A_11 = tpu.memref_squeeze %dma_start3A_10 : memref<1x16xi32, #tpu.memory_space<vmem>> -> memref<16xi32, #tpu.memory_space<vmem>>
    %dma_start3A_12 = arith.constant 0 : i32
    %dma_start3A_13 = arith.constant 0 : i32
    %dma_start3A_14 = tpu.memref_slice %arg3[%dma_start3A_12, %dma_start3A_13] : memref<8192x1024xf32, #tpu.memory_space<hbm>> -> memref<8192x1024xf32, #tpu.memory_space<hbm>>
    %dma_start3A_15 = tpu.memref_slice %arg7[%dma_start3A_4] : memref<4x!tpu.dma_semaphore, #tpu.memory_space<semaphore_mem>> -> memref<1x!tpu.dma_semaphore, #tpu.memory_space<semaphore_mem>>
    %dma_start3A_16 = tpu.memref_squeeze %dma_start3A_15 : memref<1x!tpu.dma_semaphore, #tpu.memory_space<semaphore_mem>> -> memref<!tpu.dma_semaphore, #tpu.memory_space<semaphore_mem>>
    tpu.enqueue_indirect_dma source(%dma_start3A_14 : memref<8192x1024xf32, #tpu.memory_space<hbm>>) target(%dma_start3A_8 : memref<16x1024xf32, #tpu.memory_space<vmem>>) offsets(%dma_start3A_11 : memref<16xi32, #tpu.memory_space<vmem>>) semaphore(%dma_start3A_16 : memref<!tpu.dma_semaphore, #tpu.memory_space<semaphore_mem>>)
    %dma_start3A_17 = arith.constant 1 : i32
    %dma_start3A_18 = arith.constant 1 : i32
    %dma_start3A_19 = arith.constant 1 : i32
    %dma_start3A_20 = arith.constant 0 : i32
    %dma_start3A_21 = arith.constant 0 : i32
    %dma_start3A_22 = tpu.memref_slice %arg6[%dma_start3A_18, %dma_start3A_20, %dma_start3A_21] : memref<4x16x1024xf32, #tpu.memory_space<vmem>> -> memref<1x16x1024xf32, #tpu.memory_space<vmem>>
    %dma_start3A_23 = tpu.memref_squeeze %dma_start3A_22 : memref<1x16x1024xf32, #tpu.memory_space<vmem>> -> memref<16x1024xf32, #tpu.memory_space<vmem>>
    %dma_start3A_24 = arith.constant 0 : i32
    %dma_start3A_25 = tpu.memref_slice %arg5[%dma_start3A_17, %dma_start3A_24] : memref<64x16xi32, #tpu.memory_space<vmem>> -> memref<1x16xi32, #tpu.memory_space<vmem>>
    %dma_start3A_26 = tpu.memref_squeeze %dma_start3A_25 : memref<1x16xi32, #tpu.memory_space<vmem>> -> memref<16xi32, #tpu.memory_space<vmem>>
    %dma_start3A_27 = arith.constant 0 : i32
    %dma_start3A_28 = arith.constant 0 : i32
    %dma_start3A_29 = tpu.memref_slice %arg3[%dma_start3A_27, %dma_start3A_28] : memref<8192x1024xf32, #tpu.memory_space<hbm>> -> memref<8192x1024xf32, #tpu.memory_space<hbm>>
    %dma_start3A_30 = tpu.memref_slice %arg7[%dma_start3A_19] : memref<4x!tpu.dma_semaphore, #tpu.memory_space<semaphore_mem>> -> memref<1x!tpu.dma_semaphore, #tpu.memory_space<semaphore_mem>>
    %dma_start3A_31 = tpu.memref_squeeze %dma_start3A_30 : memref<1x!tpu.dma_semaphore, #tpu.memory_space<semaphore_mem>> -> memref<!tpu.dma_semaphore, #tpu.memory_space<semaphore_mem>>
    tpu.enqueue_indirect_dma source(%dma_start3A_29 : memref<8192x1024xf32, #tpu.memory_space<hbm>>) target(%dma_start3A_23 : memref<16x1024xf32, #tpu.memory_space<vmem>>) offsets(%dma_start3A_26 : memref<16xi32, #tpu.memory_space<vmem>>) semaphore(%dma_start3A_31 : memref<!tpu.dma_semaphore, #tpu.memory_space<semaphore_mem>>)
    %dma_start3A_32 = arith.constant 2 : i32
    %dma_start3A_33 = arith.constant 2 : i32
    %dma_start3A_34 = arith.constant 2 : i32
    %dma_start3A_35 = arith.constant 0 : i32
    %dma_start3A_36 = arith.constant 0 : i32
    %dma_start3A_37 = tpu.memref_slice %arg6[%dma_start3A_33, %dma_start3A_35, %dma_start3A_36] : memref<4x16x1024xf32, #tpu.memory_space<vmem>> -> memref<1x16x1024xf32, #tpu.memory_space<vmem>>
    %dma_start3A_38 = tpu.memref_squeeze %dma_start3A_37 : memref<1x16x1024xf32, #tpu.memory_space<vmem>> -> memref<16x1024xf32, #tpu.memory_space<vmem>>
    %dma_start3A_39 = arith.constant 0 : i32
    %dma_start3A_40 = tpu.memref_slice %arg5[%dma_start3A_32, %dma_start3A_39] : memref<64x16xi32, #tpu.memory_space<vmem>> -> memref<1x16xi32, #tpu.memory_space<vmem>>
    %dma_start3A_41 = tpu.memref_squeeze %dma_start3A_40 : memref<1x16xi32, #tpu.memory_space<vmem>> -> memref<16xi32, #tpu.memory_space<vmem>>
    %dma_start3A_42 = arith.constant 0 : i32
    %dma_start3A_43 = arith.constant 0 : i32
    %dma_start3A_44 = tpu.memref_slice %arg3[%dma_start3A_42, %dma_start3A_43] : memref<8192x1024xf32, #tpu.memory_space<hbm>> -> memref<8192x1024xf32, #tpu.memory_space<hbm>>
    %dma_start3A_45 = tpu.memref_slice %arg7[%dma_start3A_34] : memref<4x!tpu.dma_semaphore, #tpu.memory_space<semaphore_mem>> -> memref<1x!tpu.dma_semaphore, #tpu.memory_space<semaphore_mem>>
    %dma_start3A_46 = tpu.memref_squeeze %dma_start3A_45 : memref<1x!tpu.dma_semaphore, #tpu.memory_space<semaphore_mem>> -> memref<!tpu.dma_semaphore, #tpu.memory_space<semaphore_mem>>
    tpu.enqueue_indirect_dma source(%dma_start3A_44 : memref<8192x1024xf32, #tpu.memory_space<hbm>>) target(%dma_start3A_38 : memref<16x1024xf32, #tpu.memory_space<vmem>>) offsets(%dma_start3A_41 : memref<16xi32, #tpu.memory_space<vmem>>) semaphore(%dma_start3A_46 : memref<!tpu.dma_semaphore, #tpu.memory_space<semaphore_mem>>)
    %scan3A = arith.constant 0 : i32
    %scan3A_47 = arith.constant 0 : i32
    %scan3A_48 = arith.constant 16 : i32
    %scan3A_49 = arith.addi %scan3A_47, %scan3A_48 : i32
    %scan3A_50 = arith.constant 1 : i32
    scf.for %scan3A_123 = %scan3A_47 to %scan3A_49 step %scan3A_50  : i32 {
      %mul3A_124 = arith.constant 4 : i32
      %mul3A_125 = arith.muli %scan3A_123, %mul3A_124 : i32
      %add3A_126 = arith.constant 0 : i32
      %add3A_127 = arith.addi %mul3A_125, %add3A_126 : i32
      %dma_wait3A_128 = arith.constant 0 : i32
      %dma_wait3A_129 = arith.constant 0 : i32
      %dma_wait3A_130 = arith.constant 0 : i32
      %dma_wait3A_131 = arith.constant 0 : i32
      %dma_wait3A_132 = tpu.memref_slice %arg6[%dma_wait3A_128, %dma_wait3A_130, %dma_wait3A_131] : memref<4x16x1024xf32, #tpu.memory_space<vmem>> -> memref<1x16x1024xf32, #tpu.memory_space<vmem>>
      %dma_wait3A_133 = tpu.memref_squeeze %dma_wait3A_132 : memref<1x16x1024xf32, #tpu.memory_space<vmem>> -> memref<16x1024xf32, #tpu.memory_space<vmem>>
      %dma_wait3A_134 = arith.constant 0 : i32
      %dma_wait3A_135 = tpu.memref_slice %arg5[%add3A_127, %dma_wait3A_134] : memref<64x16xi32, #tpu.memory_space<vmem>> -> memref<1x16xi32, #tpu.memory_space<vmem>>
      %dma_wait3A_136 = tpu.memref_squeeze %dma_wait3A_135 : memref<1x16xi32, #tpu.memory_space<vmem>> -> memref<16xi32, #tpu.memory_space<vmem>>
      %dma_wait3A_137 = arith.constant 0 : i32
      %dma_wait3A_138 = arith.constant 0 : i32
      %dma_wait3A_139 = tpu.memref_slice %arg3[%dma_wait3A_137, %dma_wait3A_138] : memref<8192x1024xf32, #tpu.memory_space<hbm>> -> memref<8192x1024xf32, #tpu.memory_space<hbm>>
      %dma_wait3A_140 = tpu.memref_slice %arg7[%dma_wait3A_129] : memref<4x!tpu.dma_semaphore, #tpu.memory_space<semaphore_mem>> -> memref<1x!tpu.dma_semaphore, #tpu.memory_space<semaphore_mem>>
      %dma_wait3A_141 = tpu.memref_squeeze %dma_wait3A_140 : memref<1x!tpu.dma_semaphore, #tpu.memory_space<semaphore_mem>> -> memref<!tpu.dma_semaphore, #tpu.memory_space<semaphore_mem>>
      tpu.wait_indirect_dma semaphore(%dma_wait3A_141 : memref<!tpu.dma_semaphore, #tpu.memory_space<semaphore_mem>>) src(%dma_wait3A_139 : memref<8192x1024xf32, #tpu.memory_space<hbm>>) dst(%dma_wait3A_133 : memref<16x1024xf32, #tpu.memory_space<vmem>>)
      %mul3A_142 = arith.constant 16 : i32
      %mul3A_143 = arith.muli %add3A_127, %mul3A_142 : i32
      %add3A_144 = arith.addi %mul3A_2, %mul3A_143 : i32
      %dma_start3A_145 = arith.constant 0 : i32
      %dma_start3A_146 = arith.constant 0 : i32
      %dma_start3A_147 = arith.constant 0 : i32
      %dma_start3A_148 = arith.constant 0 : i32
      %dma_start3A_149 = tpu.memref_slice %arg6[%dma_start3A_145, %dma_start3A_147, %dma_start3A_148] : memref<4x16x1024xf32, #tpu.memory_space<vmem>> -> memref<1x16x1024xf32, #tpu.memory_space<vmem>>
      %dma_start3A_150 = tpu.memref_squeeze %dma_start3A_149 : memref<1x16x1024xf32, #tpu.memory_space<vmem>> -> memref<16x1024xf32, #tpu.memory_space<vmem>>
      %dma_start3A_151 = arith.constant 0 : i32
      %dma_start3A_152 = tpu.memref_slice %arg4[%add3A_144, %dma_start3A_151] : memref<32768x1024xf32, #tpu.memory_space<hbm>> -> memref<16x1024xf32, #tpu.memory_space<hbm>>
      %dma_start3A_153 = tpu.memref_slice %arg8[%dma_start3A_146] : memref<4x!tpu.dma_semaphore, #tpu.memory_space<semaphore_mem>> -> memref<1x!tpu.dma_semaphore, #tpu.memory_space<semaphore_mem>>
      %dma_start3A_154 = tpu.memref_squeeze %dma_start3A_153 : memref<1x!tpu.dma_semaphore, #tpu.memory_space<semaphore_mem>> -> memref<!tpu.dma_semaphore, #tpu.memory_space<semaphore_mem>>
      %dma_start3A_155 = arith.constant 0 : i32
      %dma_start3A_156 = tpu.memref_slice %arg4[%add3A_144, %dma_start3A_155] : memref<32768x1024xf32, #tpu.memory_space<hbm>> -> memref<16x1024xf32, #tpu.memory_space<hbm>>
      %dma_start3A_157 = arith.constant 0 : i32
      %dma_start3A_158 = arith.constant 0 : i32
      %dma_start3A_159 = tpu.memref_slice %arg6[%dma_start3A_145, %dma_start3A_157, %dma_start3A_158] : memref<4x16x1024xf32, #tpu.memory_space<vmem>> -> memref<1x16x1024xf32, #tpu.memory_space<vmem>>
      %dma_start3A_160 = tpu.memref_squeeze %dma_start3A_159 : memref<1x16x1024xf32, #tpu.memory_space<vmem>> -> memref<16x1024xf32, #tpu.memory_space<vmem>>
      tpu.enqueue_dma source(%dma_start3A_160 : memref<16x1024xf32, #tpu.memory_space<vmem>>) target(%dma_start3A_156 : memref<16x1024xf32, #tpu.memory_space<hbm>>) target_semaphore(%dma_start3A_154 : memref<!tpu.dma_semaphore, #tpu.memory_space<semaphore_mem>>)
      %add3A_161 = arith.constant 4 : i32
      %add3A_162 = arith.addi %add3A_127, %add3A_161 : i32
      %sub3A = arith.constant 1 : i32
      %sub3A_163 = arith.subi %add3A_162, %sub3A : i32
      %lt3A = arith.constant 64 : i32
      %lt3A_164 = arith.cmpi slt, %sub3A_163, %lt3A : i32
      %convert_element_type3A = arith.extui %lt3A_164 : i1 to i32
      %cond3A = arith.constant 0 : i32
      %cond3A_165 = arith.cmpi ne, %convert_element_type3A, %cond3A : i32
      scf.if %cond3A_165 {
        %ge3A = arith.constant 1 : i32
        %ge3A_304 = arith.cmpi sge, %add3A_127, %ge3A : i32
        %convert_element_type3A_305 = arith.extui %ge3A_304 : i1 to i32
        %cond3A_306 = arith.constant 0 : i32
        %cond3A_307 = arith.cmpi ne, %convert_element_type3A_305, %cond3A_306 : i32
        scf.if %cond3A_307 {
          %sub3A_322 = arith.constant 1 : i32
          %sub3A_323 = arith.subi %add3A_127, %sub3A_322 : i32
          %mul3A_324 = arith.constant 16 : i32
          %mul3A_325 = arith.muli %sub3A_323, %mul3A_324 : i32
          %add3A_326 = arith.addi %mul3A_2, %mul3A_325 : i32
          %dma_wait3A_327 = arith.constant 3 : i32
          %dma_wait3A_328 = arith.constant 3 : i32
          %dma_wait3A_329 = arith.constant 0 : i32
          %dma_wait3A_330 = arith.constant 0 : i32
          %dma_wait3A_331 = tpu.memref_slice %arg6[%dma_wait3A_327, %dma_wait3A_329, %dma_wait3A_330] : memref<4x16x1024xf32, #tpu.memory_space<vmem>> -> memref<1x16x1024xf32, #tpu.memory_space<vmem>>
          %dma_wait3A_332 = tpu.memref_squeeze %dma_wait3A_331 : memref<1x16x1024xf32, #tpu.memory_space<vmem>> -> memref<16x1024xf32, #tpu.memory_space<vmem>>
          %dma_wait3A_333 = arith.constant 0 : i32
          %dma_wait3A_334 = tpu.memref_slice %arg4[%add3A_326, %dma_wait3A_333] : memref<32768x1024xf32, #tpu.memory_space<hbm>> -> memref<16x1024xf32, #tpu.memory_space<hbm>>
          %dma_wait3A_335 = tpu.memref_slice %arg8[%dma_wait3A_328] : memref<4x!tpu.dma_semaphore, #tpu.memory_space<semaphore_mem>> -> memref<1x!tpu.dma_semaphore, #tpu.memory_space<semaphore_mem>>
          %dma_wait3A_336 = tpu.memref_squeeze %dma_wait3A_335 : memref<1x!tpu.dma_semaphore, #tpu.memory_space<semaphore_mem>> -> memref<!tpu.dma_semaphore, #tpu.memory_space<semaphore_mem>>
          %dma_wait3A_337 = arith.constant 0 : i32
          %dma_wait3A_338 = tpu.memref_slice %arg4[%add3A_326, %dma_wait3A_337] : memref<32768x1024xf32, #tpu.memory_space<hbm>> -> memref<16x1024xf32, #tpu.memory_space<hbm>>
          %dma_wait3A_339 = arith.constant 0 : i32
          %dma_wait3A_340 = arith.constant 0 : i32
          %dma_wait3A_341 = tpu.memref_slice %arg6[%dma_wait3A_327, %dma_wait3A_339, %dma_wait3A_340] : memref<4x16x1024xf32, #tpu.memory_space<vmem>> -> memref<1x16x1024xf32, #tpu.memory_space<vmem>>
          %dma_wait3A_342 = tpu.memref_squeeze %dma_wait3A_341 : memref<1x16x1024xf32, #tpu.memory_space<vmem>> -> memref<16x1024xf32, #tpu.memory_space<vmem>>
          tpu.wait_dma2 semaphore(%dma_wait3A_336 : memref<!tpu.dma_semaphore, #tpu.memory_space<semaphore_mem>>) src(%dma_wait3A_342 : memref<16x1024xf32, #tpu.memory_space<vmem>>) dst(%dma_wait3A_338 : memref<16x1024xf32, #tpu.memory_space<hbm>>)
        } else {
        }
        %dma_start3A_308 = arith.constant 3 : i32
        %dma_start3A_309 = arith.constant 3 : i32
        %dma_start3A_310 = arith.constant 0 : i32
        %dma_start3A_311 = arith.constant 0 : i32
        %dma_start3A_312 = tpu.memref_slice %arg6[%dma_start3A_308, %dma_start3A_310, %dma_start3A_311] : memref<4x16x1024xf32, #tpu.memory_space<vmem>> -> memref<1x16x1024xf32, #tpu.memory_space<vmem>>
        %dma_start3A_313 = tpu.memref_squeeze %dma_start3A_312 : memref<1x16x1024xf32, #tpu.memory_space<vmem>> -> memref<16x1024xf32, #tpu.memory_space<vmem>>
        %dma_start3A_314 = arith.constant 0 : i32
        %dma_start3A_315 = tpu.memref_slice %arg5[%sub3A_163, %dma_start3A_314] : memref<64x16xi32, #tpu.memory_space<vmem>> -> memref<1x16xi32, #tpu.memory_space<vmem>>
        %dma_start3A_316 = tpu.memref_squeeze %dma_start3A_315 : memref<1x16xi32, #tpu.memory_space<vmem>> -> memref<16xi32, #tpu.memory_space<vmem>>
        %dma_start3A_317 = arith.constant 0 : i32
        %dma_start3A_318 = arith.constant 0 : i32
        %dma_start3A_319 = tpu.memref_slice %arg3[%dma_start3A_317, %dma_start3A_318] : memref<8192x1024xf32, #tpu.memory_space<hbm>> -> memref<8192x1024xf32, #tpu.memory_space<hbm>>
        %dma_start3A_320 = tpu.memref_slice %arg7[%dma_start3A_309] : memref<4x!tpu.dma_semaphore, #tpu.memory_space<semaphore_mem>> -> memref<1x!tpu.dma_semaphore, #tpu.memory_space<semaphore_mem>>
        %dma_start3A_321 = tpu.memref_squeeze %dma_start3A_320 : memref<1x!tpu.dma_semaphore, #tpu.memory_space<semaphore_mem>> -> memref<!tpu.dma_semaphore, #tpu.memory_space<semaphore_mem>>
        tpu.enqueue_indirect_dma source(%dma_start3A_319 : memref<8192x1024xf32, #tpu.memory_space<hbm>>) target(%dma_start3A_313 : memref<16x1024xf32, #tpu.memory_space<vmem>>) offsets(%dma_start3A_316 : memref<16xi32, #tpu.memory_space<vmem>>) semaphore(%dma_start3A_321 : memref<!tpu.dma_semaphore, #tpu.memory_space<semaphore_mem>>)
      } else {
      }
      %mul3A_166 = arith.constant 4 : i32
      %mul3A_167 = arith.muli %scan3A_123, %mul3A_166 : i32
      %add3A_168 = arith.constant 1 : i32
      %add3A_169 = arith.addi %mul3A_167, %add3A_168 : i32
      %dma_wait3A_170 = arith.constant 1 : i32
      %dma_wait3A_171 = arith.constant 1 : i32
      %dma_wait3A_172 = arith.constant 0 : i32
      %dma_wait3A_173 = arith.constant 0 : i32
      %dma_wait3A_174 = tpu.memref_slice %arg6[%dma_wait3A_170, %dma_wait3A_172, %dma_wait3A_173] : memref<4x16x1024xf32, #tpu.memory_space<vmem>> -> memref<1x16x1024xf32, #tpu.memory_space<vmem>>
      %dma_wait3A_175 = tpu.memref_squeeze %dma_wait3A_174 : memref<1x16x1024xf32, #tpu.memory_space<vmem>> -> memref<16x1024xf32, #tpu.memory_space<vmem>>
      %dma_wait3A_176 = arith.constant 0 : i32
      %dma_wait3A_177 = tpu.memref_slice %arg5[%add3A_169, %dma_wait3A_176] : memref<64x16xi32, #tpu.memory_space<vmem>> -> memref<1x16xi32, #tpu.memory_space<vmem>>
      %dma_wait3A_178 = tpu.memref_squeeze %dma_wait3A_177 : memref<1x16xi32, #tpu.memory_space<vmem>> -> memref<16xi32, #tpu.memory_space<vmem>>
      %dma_wait3A_179 = arith.constant 0 : i32
      %dma_wait3A_180 = arith.constant 0 : i32
      %dma_wait3A_181 = tpu.memref_slice %arg3[%dma_wait3A_179, %dma_wait3A_180] : memref<8192x1024xf32, #tpu.memory_space<hbm>> -> memref<8192x1024xf32, #tpu.memory_space<hbm>>
      %dma_wait3A_182 = tpu.memref_slice %arg7[%dma_wait3A_171] : memref<4x!tpu.dma_semaphore, #tpu.memory_space<semaphore_mem>> -> memref<1x!tpu.dma_semaphore, #tpu.memory_space<semaphore_mem>>
      %dma_wait3A_183 = tpu.memref_squeeze %dma_wait3A_182 : memref<1x!tpu.dma_semaphore, #tpu.memory_space<semaphore_mem>> -> memref<!tpu.dma_semaphore, #tpu.memory_space<semaphore_mem>>
      tpu.wait_indirect_dma semaphore(%dma_wait3A_183 : memref<!tpu.dma_semaphore, #tpu.memory_space<semaphore_mem>>) src(%dma_wait3A_181 : memref<8192x1024xf32, #tpu.memory_space<hbm>>) dst(%dma_wait3A_175 : memref<16x1024xf32, #tpu.memory_space<vmem>>)
      %mul3A_184 = arith.constant 16 : i32
      %mul3A_185 = arith.muli %add3A_169, %mul3A_184 : i32
      %add3A_186 = arith.addi %mul3A_2, %mul3A_185 : i32
      %dma_start3A_187 = arith.constant 1 : i32
      %dma_start3A_188 = arith.constant 1 : i32
      %dma_start3A_189 = arith.constant 0 : i32
      %dma_start3A_190 = arith.constant 0 : i32
      %dma_start3A_191 = tpu.memref_slice %arg6[%dma_start3A_187, %dma_start3A_189, %dma_start3A_190] : memref<4x16x1024xf32, #tpu.memory_space<vmem>> -> memref<1x16x1024xf32, #tpu.memory_space<vmem>>
      %dma_start3A_192 = tpu.memref_squeeze %dma_start3A_191 : memref<1x16x1024xf32, #tpu.memory_space<vmem>> -> memref<16x1024xf32, #tpu.memory_space<vmem>>
      %dma_start3A_193 = arith.constant 0 : i32
      %dma_start3A_194 = tpu.memref_slice %arg4[%add3A_186, %dma_start3A_193] : memref<32768x1024xf32, #tpu.memory_space<hbm>> -> memref<16x1024xf32, #tpu.memory_space<hbm>>
      %dma_start3A_195 = tpu.memref_slice %arg8[%dma_start3A_188] : memref<4x!tpu.dma_semaphore, #tpu.memory_space<semaphore_mem>> -> memref<1x!tpu.dma_semaphore, #tpu.memory_space<semaphore_mem>>
      %dma_start3A_196 = tpu.memref_squeeze %dma_start3A_195 : memref<1x!tpu.dma_semaphore, #tpu.memory_space<semaphore_mem>> -> memref<!tpu.dma_semaphore, #tpu.memory_space<semaphore_mem>>
      %dma_start3A_197 = arith.constant 0 : i32
      %dma_start3A_198 = tpu.memref_slice %arg4[%add3A_186, %dma_start3A_197] : memref<32768x1024xf32, #tpu.memory_space<hbm>> -> memref<16x1024xf32, #tpu.memory_space<hbm>>
      %dma_start3A_199 = arith.constant 0 : i32
      %dma_start3A_200 = arith.constant 0 : i32
      %dma_start3A_201 = tpu.memref_slice %arg6[%dma_start3A_187, %dma_start3A_199, %dma_start3A_200] : memref<4x16x1024xf32, #tpu.memory_space<vmem>> -> memref<1x16x1024xf32, #tpu.memory_space<vmem>>
      %dma_start3A_202 = tpu.memref_squeeze %dma_start3A_201 : memref<1x16x1024xf32, #tpu.memory_space<vmem>> -> memref<16x1024xf32, #tpu.memory_space<vmem>>
      tpu.enqueue_dma source(%dma_start3A_202 : memref<16x1024xf32, #tpu.memory_space<vmem>>) target(%dma_start3A_198 : memref<16x1024xf32, #tpu.memory_space<hbm>>) target_semaphore(%dma_start3A_196 : memref<!tpu.dma_semaphore, #tpu.memory_space<semaphore_mem>>)
      %add3A_203 = arith.constant 4 : i32
      %add3A_204 = arith.addi %add3A_169, %add3A_203 : i32
      %sub3A_205 = arith.constant 1 : i32
      %sub3A_206 = arith.subi %add3A_204, %sub3A_205 : i32
      %lt3A_207 = arith.constant 64 : i32
      %lt3A_208 = arith.cmpi slt, %sub3A_206, %lt3A_207 : i32
      %convert_element_type3A_209 = arith.extui %lt3A_208 : i1 to i32
      %cond3A_210 = arith.constant 0 : i32
      %cond3A_211 = arith.cmpi ne, %convert_element_type3A_209, %cond3A_210 : i32
      scf.if %cond3A_211 {
        %ge3A = arith.constant 1 : i32
        %ge3A_304 = arith.cmpi sge, %add3A_169, %ge3A : i32
        %convert_element_type3A_305 = arith.extui %ge3A_304 : i1 to i32
        %cond3A_306 = arith.constant 0 : i32
        %cond3A_307 = arith.cmpi ne, %convert_element_type3A_305, %cond3A_306 : i32
        scf.if %cond3A_307 {
          %sub3A_322 = arith.constant 1 : i32
          %sub3A_323 = arith.subi %add3A_169, %sub3A_322 : i32
          %mul3A_324 = arith.constant 16 : i32
          %mul3A_325 = arith.muli %sub3A_323, %mul3A_324 : i32
          %add3A_326 = arith.addi %mul3A_2, %mul3A_325 : i32
          %dma_wait3A_327 = arith.constant 0 : i32
          %dma_wait3A_328 = arith.constant 0 : i32
          %dma_wait3A_329 = arith.constant 0 : i32
          %dma_wait3A_330 = arith.constant 0 : i32
          %dma_wait3A_331 = tpu.memref_slice %arg6[%dma_wait3A_327, %dma_wait3A_329, %dma_wait3A_330] : memref<4x16x1024xf32, #tpu.memory_space<vmem>> -> memref<1x16x1024xf32, #tpu.memory_space<vmem>>
          %dma_wait3A_332 = tpu.memref_squeeze %dma_wait3A_331 : memref<1x16x1024xf32, #tpu.memory_space<vmem>> -> memref<16x1024xf32, #tpu.memory_space<vmem>>
          %dma_wait3A_333 = arith.constant 0 : i32
          %dma_wait3A_334 = tpu.memref_slice %arg4[%add3A_326, %dma_wait3A_333] : memref<32768x1024xf32, #tpu.memory_space<hbm>> -> memref<16x1024xf32, #tpu.memory_space<hbm>>
          %dma_wait3A_335 = tpu.memref_slice %arg8[%dma_wait3A_328] : memref<4x!tpu.dma_semaphore, #tpu.memory_space<semaphore_mem>> -> memref<1x!tpu.dma_semaphore, #tpu.memory_space<semaphore_mem>>
          %dma_wait3A_336 = tpu.memref_squeeze %dma_wait3A_335 : memref<1x!tpu.dma_semaphore, #tpu.memory_space<semaphore_mem>> -> memref<!tpu.dma_semaphore, #tpu.memory_space<semaphore_mem>>
          %dma_wait3A_337 = arith.constant 0 : i32
          %dma_wait3A_338 = tpu.memref_slice %arg4[%add3A_326, %dma_wait3A_337] : memref<32768x1024xf32, #tpu.memory_space<hbm>> -> memref<16x1024xf32, #tpu.memory_space<hbm>>
          %dma_wait3A_339 = arith.constant 0 : i32
          %dma_wait3A_340 = arith.constant 0 : i32
          %dma_wait3A_341 = tpu.memref_slice %arg6[%dma_wait3A_327, %dma_wait3A_339, %dma_wait3A_340] : memref<4x16x1024xf32, #tpu.memory_space<vmem>> -> memref<1x16x1024xf32, #tpu.memory_space<vmem>>
          %dma_wait3A_342 = tpu.memref_squeeze %dma_wait3A_341 : memref<1x16x1024xf32, #tpu.memory_space<vmem>> -> memref<16x1024xf32, #tpu.memory_space<vmem>>
          tpu.wait_dma2 semaphore(%dma_wait3A_336 : memref<!tpu.dma_semaphore, #tpu.memory_space<semaphore_mem>>) src(%dma_wait3A_342 : memref<16x1024xf32, #tpu.memory_space<vmem>>) dst(%dma_wait3A_338 : memref<16x1024xf32, #tpu.memory_space<hbm>>)
        } else {
        }
        %dma_start3A_308 = arith.constant 0 : i32
        %dma_start3A_309 = arith.constant 0 : i32
        %dma_start3A_310 = arith.constant 0 : i32
        %dma_start3A_311 = arith.constant 0 : i32
        %dma_start3A_312 = tpu.memref_slice %arg6[%dma_start3A_308, %dma_start3A_310, %dma_start3A_311] : memref<4x16x1024xf32, #tpu.memory_space<vmem>> -> memref<1x16x1024xf32, #tpu.memory_space<vmem>>
        %dma_start3A_313 = tpu.memref_squeeze %dma_start3A_312 : memref<1x16x1024xf32, #tpu.memory_space<vmem>> -> memref<16x1024xf32, #tpu.memory_space<vmem>>
        %dma_start3A_314 = arith.constant 0 : i32
        %dma_start3A_315 = tpu.memref_slice %arg5[%sub3A_206, %dma_start3A_314] : memref<64x16xi32, #tpu.memory_space<vmem>> -> memref<1x16xi32, #tpu.memory_space<vmem>>
        %dma_start3A_316 = tpu.memref_squeeze %dma_start3A_315 : memref<1x16xi32, #tpu.memory_space<vmem>> -> memref<16xi32, #tpu.memory_space<vmem>>
        %dma_start3A_317 = arith.constant 0 : i32
        %dma_start3A_318 = arith.constant 0 : i32
        %dma_start3A_319 = tpu.memref_slice %arg3[%dma_start3A_317, %dma_start3A_318] : memref<8192x1024xf32, #tpu.memory_space<hbm>> -> memref<8192x1024xf32, #tpu.memory_space<hbm>>
        %dma_start3A_320 = tpu.memref_slice %arg7[%dma_start3A_309] : memref<4x!tpu.dma_semaphore, #tpu.memory_space<semaphore_mem>> -> memref<1x!tpu.dma_semaphore, #tpu.memory_space<semaphore_mem>>
        %dma_start3A_321 = tpu.memref_squeeze %dma_start3A_320 : memref<1x!tpu.dma_semaphore, #tpu.memory_space<semaphore_mem>> -> memref<!tpu.dma_semaphore, #tpu.memory_space<semaphore_mem>>
        tpu.enqueue_indirect_dma source(%dma_start3A_319 : memref<8192x1024xf32, #tpu.memory_space<hbm>>) target(%dma_start3A_313 : memref<16x1024xf32, #tpu.memory_space<vmem>>) offsets(%dma_start3A_316 : memref<16xi32, #tpu.memory_space<vmem>>) semaphore(%dma_start3A_321 : memref<!tpu.dma_semaphore, #tpu.memory_space<semaphore_mem>>)
      } else {
      }
      %mul3A_212 = arith.constant 4 : i32
      %mul3A_213 = arith.muli %scan3A_123, %mul3A_212 : i32
      %add3A_214 = arith.constant 2 : i32
      %add3A_215 = arith.addi %mul3A_213, %add3A_214 : i32
      %dma_wait3A_216 = arith.constant 2 : i32
      %dma_wait3A_217 = arith.constant 2 : i32
      %dma_wait3A_218 = arith.constant 0 : i32
      %dma_wait3A_219 = arith.constant 0 : i32
      %dma_wait3A_220 = tpu.memref_slice %arg6[%dma_wait3A_216, %dma_wait3A_218, %dma_wait3A_219] : memref<4x16x1024xf32, #tpu.memory_space<vmem>> -> memref<1x16x1024xf32, #tpu.memory_space<vmem>>
      %dma_wait3A_221 = tpu.memref_squeeze %dma_wait3A_220 : memref<1x16x1024xf32, #tpu.memory_space<vmem>> -> memref<16x1024xf32, #tpu.memory_space<vmem>>
      %dma_wait3A_222 = arith.constant 0 : i32
      %dma_wait3A_223 = tpu.memref_slice %arg5[%add3A_215, %dma_wait3A_222] : memref<64x16xi32, #tpu.memory_space<vmem>> -> memref<1x16xi32, #tpu.memory_space<vmem>>
      %dma_wait3A_224 = tpu.memref_squeeze %dma_wait3A_223 : memref<1x16xi32, #tpu.memory_space<vmem>> -> memref<16xi32, #tpu.memory_space<vmem>>
      %dma_wait3A_225 = arith.constant 0 : i32
      %dma_wait3A_226 = arith.constant 0 : i32
      %dma_wait3A_227 = tpu.memref_slice %arg3[%dma_wait3A_225, %dma_wait3A_226] : memref<8192x1024xf32, #tpu.memory_space<hbm>> -> memref<8192x1024xf32, #tpu.memory_space<hbm>>
      %dma_wait3A_228 = tpu.memref_slice %arg7[%dma_wait3A_217] : memref<4x!tpu.dma_semaphore, #tpu.memory_space<semaphore_mem>> -> memref<1x!tpu.dma_semaphore, #tpu.memory_space<semaphore_mem>>
      %dma_wait3A_229 = tpu.memref_squeeze %dma_wait3A_228 : memref<1x!tpu.dma_semaphore, #tpu.memory_space<semaphore_mem>> -> memref<!tpu.dma_semaphore, #tpu.memory_space<semaphore_mem>>
      tpu.wait_indirect_dma semaphore(%dma_wait3A_229 : memref<!tpu.dma_semaphore, #tpu.memory_space<semaphore_mem>>) src(%dma_wait3A_227 : memref<8192x1024xf32, #tpu.memory_space<hbm>>) dst(%dma_wait3A_221 : memref<16x1024xf32, #tpu.memory_space<vmem>>)
      %mul3A_230 = arith.constant 16 : i32
      %mul3A_231 = arith.muli %add3A_215, %mul3A_230 : i32
      %add3A_232 = arith.addi %mul3A_2, %mul3A_231 : i32
      %dma_start3A_233 = arith.constant 2 : i32
      %dma_start3A_234 = arith.constant 2 : i32
      %dma_start3A_235 = arith.constant 0 : i32
      %dma_start3A_236 = arith.constant 0 : i32
      %dma_start3A_237 = tpu.memref_slice %arg6[%dma_start3A_233, %dma_start3A_235, %dma_start3A_236] : memref<4x16x1024xf32, #tpu.memory_space<vmem>> -> memref<1x16x1024xf32, #tpu.memory_space<vmem>>
      %dma_start3A_238 = tpu.memref_squeeze %dma_start3A_237 : memref<1x16x1024xf32, #tpu.memory_space<vmem>> -> memref<16x1024xf32, #tpu.memory_space<vmem>>
      %dma_start3A_239 = arith.constant 0 : i32
      %dma_start3A_240 = tpu.memref_slice %arg4[%add3A_232, %dma_start3A_239] : memref<32768x1024xf32, #tpu.memory_space<hbm>> -> memref<16x1024xf32, #tpu.memory_space<hbm>>
      %dma_start3A_241 = tpu.memref_slice %arg8[%dma_start3A_234] : memref<4x!tpu.dma_semaphore, #tpu.memory_space<semaphore_mem>> -> memref<1x!tpu.dma_semaphore, #tpu.memory_space<semaphore_mem>>
      %dma_start3A_242 = tpu.memref_squeeze %dma_start3A_241 : memref<1x!tpu.dma_semaphore, #tpu.memory_space<semaphore_mem>> -> memref<!tpu.dma_semaphore, #tpu.memory_space<semaphore_mem>>
      %dma_start3A_243 = arith.constant 0 : i32
      %dma_start3A_244 = tpu.memref_slice %arg4[%add3A_232, %dma_start3A_243] : memref<32768x1024xf32, #tpu.memory_space<hbm>> -> memref<16x1024xf32, #tpu.memory_space<hbm>>
      %dma_start3A_245 = arith.constant 0 : i32
      %dma_start3A_246 = arith.constant 0 : i32
      %dma_start3A_247 = tpu.memref_slice %arg6[%dma_start3A_233, %dma_start3A_245, %dma_start3A_246] : memref<4x16x1024xf32, #tpu.memory_space<vmem>> -> memref<1x16x1024xf32, #tpu.memory_space<vmem>>
      %dma_start3A_248 = tpu.memref_squeeze %dma_start3A_247 : memref<1x16x1024xf32, #tpu.memory_space<vmem>> -> memref<16x1024xf32, #tpu.memory_space<vmem>>
      tpu.enqueue_dma source(%dma_start3A_248 : memref<16x1024xf32, #tpu.memory_space<vmem>>) target(%dma_start3A_244 : memref<16x1024xf32, #tpu.memory_space<hbm>>) target_semaphore(%dma_start3A_242 : memref<!tpu.dma_semaphore, #tpu.memory_space<semaphore_mem>>)
      %add3A_249 = arith.constant 4 : i32
      %add3A_250 = arith.addi %add3A_215, %add3A_249 : i32
      %sub3A_251 = arith.constant 1 : i32
      %sub3A_252 = arith.subi %add3A_250, %sub3A_251 : i32
      %lt3A_253 = arith.constant 64 : i32
      %lt3A_254 = arith.cmpi slt, %sub3A_252, %lt3A_253 : i32
      %convert_element_type3A_255 = arith.extui %lt3A_254 : i1 to i32
      %cond3A_256 = arith.constant 0 : i32
      %cond3A_257 = arith.cmpi ne, %convert_element_type3A_255, %cond3A_256 : i32
      scf.if %cond3A_257 {
        %ge3A = arith.constant 1 : i32
        %ge3A_304 = arith.cmpi sge, %add3A_215, %ge3A : i32
        %convert_element_type3A_305 = arith.extui %ge3A_304 : i1 to i32
        %cond3A_306 = arith.constant 0 : i32
        %cond3A_307 = arith.cmpi ne, %convert_element_type3A_305, %cond3A_306 : i32
        scf.if %cond3A_307 {
          %sub3A_322 = arith.constant 1 : i32
          %sub3A_323 = arith.subi %add3A_215, %sub3A_322 : i32
          %mul3A_324 = arith.constant 16 : i32
          %mul3A_325 = arith.muli %sub3A_323, %mul3A_324 : i32
          %add3A_326 = arith.addi %mul3A_2, %mul3A_325 : i32
          %dma_wait3A_327 = arith.constant 1 : i32
          %dma_wait3A_328 = arith.constant 1 : i32
          %dma_wait3A_329 = arith.constant 0 : i32
          %dma_wait3A_330 = arith.constant 0 : i32
          %dma_wait3A_331 = tpu.memref_slice %arg6[%dma_wait3A_327, %dma_wait3A_329, %dma_wait3A_330] : memref<4x16x1024xf32, #tpu.memory_space<vmem>> -> memref<1x16x1024xf32, #tpu.memory_space<vmem>>
          %dma_wait3A_332 = tpu.memref_squeeze %dma_wait3A_331 : memref<1x16x1024xf32, #tpu.memory_space<vmem>> -> memref<16x1024xf32, #tpu.memory_space<vmem>>
          %dma_wait3A_333 = arith.constant 0 : i32
          %dma_wait3A_334 = tpu.memref_slice %arg4[%add3A_326, %dma_wait3A_333] : memref<32768x1024xf32, #tpu.memory_space<hbm>> -> memref<16x1024xf32, #tpu.memory_space<hbm>>
          %dma_wait3A_335 = tpu.memref_slice %arg8[%dma_wait3A_328] : memref<4x!tpu.dma_semaphore, #tpu.memory_space<semaphore_mem>> -> memref<1x!tpu.dma_semaphore, #tpu.memory_space<semaphore_mem>>
          %dma_wait3A_336 = tpu.memref_squeeze %dma_wait3A_335 : memref<1x!tpu.dma_semaphore, #tpu.memory_space<semaphore_mem>> -> memref<!tpu.dma_semaphore, #tpu.memory_space<semaphore_mem>>
          %dma_wait3A_337 = arith.constant 0 : i32
          %dma_wait3A_338 = tpu.memref_slice %arg4[%add3A_326, %dma_wait3A_337] : memref<32768x1024xf32, #tpu.memory_space<hbm>> -> memref<16x1024xf32, #tpu.memory_space<hbm>>
          %dma_wait3A_339 = arith.constant 0 : i32
          %dma_wait3A_340 = arith.constant 0 : i32
          %dma_wait3A_341 = tpu.memref_slice %arg6[%dma_wait3A_327, %dma_wait3A_339, %dma_wait3A_340] : memref<4x16x1024xf32, #tpu.memory_space<vmem>> -> memref<1x16x1024xf32, #tpu.memory_space<vmem>>
          %dma_wait3A_342 = tpu.memref_squeeze %dma_wait3A_341 : memref<1x16x1024xf32, #tpu.memory_space<vmem>> -> memref<16x1024xf32, #tpu.memory_space<vmem>>
          tpu.wait_dma2 semaphore(%dma_wait3A_336 : memref<!tpu.dma_semaphore, #tpu.memory_space<semaphore_mem>>) src(%dma_wait3A_342 : memref<16x1024xf32, #tpu.memory_space<vmem>>) dst(%dma_wait3A_338 : memref<16x1024xf32, #tpu.memory_space<hbm>>)
        } else {
        }
        %dma_start3A_308 = arith.constant 1 : i32
        %dma_start3A_309 = arith.constant 1 : i32
        %dma_start3A_310 = arith.constant 0 : i32
        %dma_start3A_311 = arith.constant 0 : i32
        %dma_start3A_312 = tpu.memref_slice %arg6[%dma_start3A_308, %dma_start3A_310, %dma_start3A_311] : memref<4x16x1024xf32, #tpu.memory_space<vmem>> -> memref<1x16x1024xf32, #tpu.memory_space<vmem>>
        %dma_start3A_313 = tpu.memref_squeeze %dma_start3A_312 : memref<1x16x1024xf32, #tpu.memory_space<vmem>> -> memref<16x1024xf32, #tpu.memory_space<vmem>>
        %dma_start3A_314 = arith.constant 0 : i32
        %dma_start3A_315 = tpu.memref_slice %arg5[%sub3A_252, %dma_start3A_314] : memref<64x16xi32, #tpu.memory_space<vmem>> -> memref<1x16xi32, #tpu.memory_space<vmem>>
        %dma_start3A_316 = tpu.memref_squeeze %dma_start3A_315 : memref<1x16xi32, #tpu.memory_space<vmem>> -> memref<16xi32, #tpu.memory_space<vmem>>
        %dma_start3A_317 = arith.constant 0 : i32
        %dma_start3A_318 = arith.constant 0 : i32
        %dma_start3A_319 = tpu.memref_slice %arg3[%dma_start3A_317, %dma_start3A_318] : memref<8192x1024xf32, #tpu.memory_space<hbm>> -> memref<8192x1024xf32, #tpu.memory_space<hbm>>
        %dma_start3A_320 = tpu.memref_slice %arg7[%dma_start3A_309] : memref<4x!tpu.dma_semaphore, #tpu.memory_space<semaphore_mem>> -> memref<1x!tpu.dma_semaphore, #tpu.memory_space<semaphore_mem>>
        %dma_start3A_321 = tpu.memref_squeeze %dma_start3A_320 : memref<1x!tpu.dma_semaphore, #tpu.memory_space<semaphore_mem>> -> memref<!tpu.dma_semaphore, #tpu.memory_space<semaphore_mem>>
        tpu.enqueue_indirect_dma source(%dma_start3A_319 : memref<8192x1024xf32, #tpu.memory_space<hbm>>) target(%dma_start3A_313 : memref<16x1024xf32, #tpu.memory_space<vmem>>) offsets(%dma_start3A_316 : memref<16xi32, #tpu.memory_space<vmem>>) semaphore(%dma_start3A_321 : memref<!tpu.dma_semaphore, #tpu.memory_space<semaphore_mem>>)
      } else {
      }
      %mul3A_258 = arith.constant 4 : i32
      %mul3A_259 = arith.muli %scan3A_123, %mul3A_258 : i32
      %add3A_260 = arith.constant 3 : i32
      %add3A_261 = arith.addi %mul3A_259, %add3A_260 : i32
      %dma_wait3A_262 = arith.constant 3 : i32
      %dma_wait3A_263 = arith.constant 3 : i32
      %dma_wait3A_264 = arith.constant 0 : i32
      %dma_wait3A_265 = arith.constant 0 : i32
      %dma_wait3A_266 = tpu.memref_slice %arg6[%dma_wait3A_262, %dma_wait3A_264, %dma_wait3A_265] : memref<4x16x1024xf32, #tpu.memory_space<vmem>> -> memref<1x16x1024xf32, #tpu.memory_space<vmem>>
      %dma_wait3A_267 = tpu.memref_squeeze %dma_wait3A_266 : memref<1x16x1024xf32, #tpu.memory_space<vmem>> -> memref<16x1024xf32, #tpu.memory_space<vmem>>
      %dma_wait3A_268 = arith.constant 0 : i32
      %dma_wait3A_269 = tpu.memref_slice %arg5[%add3A_261, %dma_wait3A_268] : memref<64x16xi32, #tpu.memory_space<vmem>> -> memref<1x16xi32, #tpu.memory_space<vmem>>
      %dma_wait3A_270 = tpu.memref_squeeze %dma_wait3A_269 : memref<1x16xi32, #tpu.memory_space<vmem>> -> memref<16xi32, #tpu.memory_space<vmem>>
      %dma_wait3A_271 = arith.constant 0 : i32
      %dma_wait3A_272 = arith.constant 0 : i32
      %dma_wait3A_273 = tpu.memref_slice %arg3[%dma_wait3A_271, %dma_wait3A_272] : memref<8192x1024xf32, #tpu.memory_space<hbm>> -> memref<8192x1024xf32, #tpu.memory_space<hbm>>
      %dma_wait3A_274 = tpu.memref_slice %arg7[%dma_wait3A_263] : memref<4x!tpu.dma_semaphore, #tpu.memory_space<semaphore_mem>> -> memref<1x!tpu.dma_semaphore, #tpu.memory_space<semaphore_mem>>
      %dma_wait3A_275 = tpu.memref_squeeze %dma_wait3A_274 : memref<1x!tpu.dma_semaphore, #tpu.memory_space<semaphore_mem>> -> memref<!tpu.dma_semaphore, #tpu.memory_space<semaphore_mem>>
      tpu.wait_indirect_dma semaphore(%dma_wait3A_275 : memref<!tpu.dma_semaphore, #tpu.memory_space<semaphore_mem>>) src(%dma_wait3A_273 : memref<8192x1024xf32, #tpu.memory_space<hbm>>) dst(%dma_wait3A_267 : memref<16x1024xf32, #tpu.memory_space<vmem>>)
      %mul3A_276 = arith.constant 16 : i32
      %mul3A_277 = arith.muli %add3A_261, %mul3A_276 : i32
      %add3A_278 = arith.addi %mul3A_2, %mul3A_277 : i32
      %dma_start3A_279 = arith.constant 3 : i32
      %dma_start3A_280 = arith.constant 3 : i32
      %dma_start3A_281 = arith.constant 0 : i32
      %dma_start3A_282 = arith.constant 0 : i32
      %dma_start3A_283 = tpu.memref_slice %arg6[%dma_start3A_279, %dma_start3A_281, %dma_start3A_282] : memref<4x16x1024xf32, #tpu.memory_space<vmem>> -> memref<1x16x1024xf32, #tpu.memory_space<vmem>>
      %dma_start3A_284 = tpu.memref_squeeze %dma_start3A_283 : memref<1x16x1024xf32, #tpu.memory_space<vmem>> -> memref<16x1024xf32, #tpu.memory_space<vmem>>
      %dma_start3A_285 = arith.constant 0 : i32
      %dma_start3A_286 = tpu.memref_slice %arg4[%add3A_278, %dma_start3A_285] : memref<32768x1024xf32, #tpu.memory_space<hbm>> -> memref<16x1024xf32, #tpu.memory_space<hbm>>
      %dma_start3A_287 = tpu.memref_slice %arg8[%dma_start3A_280] : memref<4x!tpu.dma_semaphore, #tpu.memory_space<semaphore_mem>> -> memref<1x!tpu.dma_semaphore, #tpu.memory_space<semaphore_mem>>
      %dma_start3A_288 = tpu.memref_squeeze %dma_start3A_287 : memref<1x!tpu.dma_semaphore, #tpu.memory_space<semaphore_mem>> -> memref<!tpu.dma_semaphore, #tpu.memory_space<semaphore_mem>>
      %dma_start3A_289 = arith.constant 0 : i32
      %dma_start3A_290 = tpu.memref_slice %arg4[%add3A_278, %dma_start3A_289] : memref<32768x1024xf32, #tpu.memory_space<hbm>> -> memref<16x1024xf32, #tpu.memory_space<hbm>>
      %dma_start3A_291 = arith.constant 0 : i32
      %dma_start3A_292 = arith.constant 0 : i32
      %dma_start3A_293 = tpu.memref_slice %arg6[%dma_start3A_279, %dma_start3A_291, %dma_start3A_292] : memref<4x16x1024xf32, #tpu.memory_space<vmem>> -> memref<1x16x1024xf32, #tpu.memory_space<vmem>>
      %dma_start3A_294 = tpu.memref_squeeze %dma_start3A_293 : memref<1x16x1024xf32, #tpu.memory_space<vmem>> -> memref<16x1024xf32, #tpu.memory_space<vmem>>
      tpu.enqueue_dma source(%dma_start3A_294 : memref<16x1024xf32, #tpu.memory_space<vmem>>) target(%dma_start3A_290 : memref<16x1024xf32, #tpu.memory_space<hbm>>) target_semaphore(%dma_start3A_288 : memref<!tpu.dma_semaphore, #tpu.memory_space<semaphore_mem>>)
      %add3A_295 = arith.constant 4 : i32
      %add3A_296 = arith.addi %add3A_261, %add3A_295 : i32
      %sub3A_297 = arith.constant 1 : i32
      %sub3A_298 = arith.subi %add3A_296, %sub3A_297 : i32
      %lt3A_299 = arith.constant 64 : i32
      %lt3A_300 = arith.cmpi slt, %sub3A_298, %lt3A_299 : i32
      %convert_element_type3A_301 = arith.extui %lt3A_300 : i1 to i32
      %cond3A_302 = arith.constant 0 : i32
      %cond3A_303 = arith.cmpi ne, %convert_element_type3A_301, %cond3A_302 : i32
      scf.if %cond3A_303 {
        %ge3A = arith.constant 1 : i32
        %ge3A_304 = arith.cmpi sge, %add3A_261, %ge3A : i32
        %convert_element_type3A_305 = arith.extui %ge3A_304 : i1 to i32
        %cond3A_306 = arith.constant 0 : i32
        %cond3A_307 = arith.cmpi ne, %convert_element_type3A_305, %cond3A_306 : i32
        scf.if %cond3A_307 {
          %sub3A_322 = arith.constant 1 : i32
          %sub3A_323 = arith.subi %add3A_261, %sub3A_322 : i32
          %mul3A_324 = arith.constant 16 : i32
          %mul3A_325 = arith.muli %sub3A_323, %mul3A_324 : i32
          %add3A_326 = arith.addi %mul3A_2, %mul3A_325 : i32
          %dma_wait3A_327 = arith.constant 2 : i32
          %dma_wait3A_328 = arith.constant 2 : i32
          %dma_wait3A_329 = arith.constant 0 : i32
          %dma_wait3A_330 = arith.constant 0 : i32
          %dma_wait3A_331 = tpu.memref_slice %arg6[%dma_wait3A_327, %dma_wait3A_329, %dma_wait3A_330] : memref<4x16x1024xf32, #tpu.memory_space<vmem>> -> memref<1x16x1024xf32, #tpu.memory_space<vmem>>
          %dma_wait3A_332 = tpu.memref_squeeze %dma_wait3A_331 : memref<1x16x1024xf32, #tpu.memory_space<vmem>> -> memref<16x1024xf32, #tpu.memory_space<vmem>>
          %dma_wait3A_333 = arith.constant 0 : i32
          %dma_wait3A_334 = tpu.memref_slice %arg4[%add3A_326, %dma_wait3A_333] : memref<32768x1024xf32, #tpu.memory_space<hbm>> -> memref<16x1024xf32, #tpu.memory_space<hbm>>
          %dma_wait3A_335 = tpu.memref_slice %arg8[%dma_wait3A_328] : memref<4x!tpu.dma_semaphore, #tpu.memory_space<semaphore_mem>> -> memref<1x!tpu.dma_semaphore, #tpu.memory_space<semaphore_mem>>
          %dma_wait3A_336 = tpu.memref_squeeze %dma_wait3A_335 : memref<1x!tpu.dma_semaphore, #tpu.memory_space<semaphore_mem>> -> memref<!tpu.dma_semaphore, #tpu.memory_space<semaphore_mem>>
          %dma_wait3A_337 = arith.constant 0 : i32
          %dma_wait3A_338 = tpu.memref_slice %arg4[%add3A_326, %dma_wait3A_337] : memref<32768x1024xf32, #tpu.memory_space<hbm>> -> memref<16x1024xf32, #tpu.memory_space<hbm>>
          %dma_wait3A_339 = arith.constant 0 : i32
          %dma_wait3A_340 = arith.constant 0 : i32
          %dma_wait3A_341 = tpu.memref_slice %arg6[%dma_wait3A_327, %dma_wait3A_339, %dma_wait3A_340] : memref<4x16x1024xf32, #tpu.memory_space<vmem>> -> memref<1x16x1024xf32, #tpu.memory_space<vmem>>
          %dma_wait3A_342 = tpu.memref_squeeze %dma_wait3A_341 : memref<1x16x1024xf32, #tpu.memory_space<vmem>> -> memref<16x1024xf32, #tpu.memory_space<vmem>>
          tpu.wait_dma2 semaphore(%dma_wait3A_336 : memref<!tpu.dma_semaphore, #tpu.memory_space<semaphore_mem>>) src(%dma_wait3A_342 : memref<16x1024xf32, #tpu.memory_space<vmem>>) dst(%dma_wait3A_338 : memref<16x1024xf32, #tpu.memory_space<hbm>>)
        } else {
        }
        %dma_start3A_308 = arith.constant 2 : i32
        %dma_start3A_309 = arith.constant 2 : i32
        %dma_start3A_310 = arith.constant 0 : i32
        %dma_start3A_311 = arith.constant 0 : i32
        %dma_start3A_312 = tpu.memref_slice %arg6[%dma_start3A_308, %dma_start3A_310, %dma_start3A_311] : memref<4x16x1024xf32, #tpu.memory_space<vmem>> -> memref<1x16x1024xf32, #tpu.memory_space<vmem>>
        %dma_start3A_313 = tpu.memref_squeeze %dma_start3A_312 : memref<1x16x1024xf32, #tpu.memory_space<vmem>> -> memref<16x1024xf32, #tpu.memory_space<vmem>>
        %dma_start3A_314 = arith.constant 0 : i32
        %dma_start3A_315 = tpu.memref_slice %arg5[%sub3A_298, %dma_start3A_314] : memref<64x16xi32, #tpu.memory_space<vmem>> -> memref<1x16xi32, #tpu.memory_space<vmem>>
        %dma_start3A_316 = tpu.memref_squeeze %dma_start3A_315 : memref<1x16xi32, #tpu.memory_space<vmem>> -> memref<16xi32, #tpu.memory_space<vmem>>
        %dma_start3A_317 = arith.constant 0 : i32
        %dma_start3A_318 = arith.constant 0 : i32
        %dma_start3A_319 = tpu.memref_slice %arg3[%dma_start3A_317, %dma_start3A_318] : memref<8192x1024xf32, #tpu.memory_space<hbm>> -> memref<8192x1024xf32, #tpu.memory_space<hbm>>
        %dma_start3A_320 = tpu.memref_slice %arg7[%dma_start3A_309] : memref<4x!tpu.dma_semaphore, #tpu.memory_space<semaphore_mem>> -> memref<1x!tpu.dma_semaphore, #tpu.memory_space<semaphore_mem>>
        %dma_start3A_321 = tpu.memref_squeeze %dma_start3A_320 : memref<1x!tpu.dma_semaphore, #tpu.memory_space<semaphore_mem>> -> memref<!tpu.dma_semaphore, #tpu.memory_space<semaphore_mem>>
        tpu.enqueue_indirect_dma source(%dma_start3A_319 : memref<8192x1024xf32, #tpu.memory_space<hbm>>) target(%dma_start3A_313 : memref<16x1024xf32, #tpu.memory_space<vmem>>) offsets(%dma_start3A_316 : memref<16xi32, #tpu.memory_space<vmem>>) semaphore(%dma_start3A_321 : memref<!tpu.dma_semaphore, #tpu.memory_space<semaphore_mem>>)
      } else {
      }
    }
    %scan3A_51 = arith.constant 16 : i32
    %add3A_52 = arith.constant 960 : i32
    %add3A_53 = arith.addi %mul3A_2, %add3A_52 : i32
    %dma_wait3A = arith.constant 0 : i32
    %dma_wait3A_54 = arith.constant 0 : i32
    %dma_wait3A_55 = arith.constant 0 : i32
    %dma_wait3A_56 = arith.constant 0 : i32
    %dma_wait3A_57 = tpu.memref_slice %arg6[%dma_wait3A, %dma_wait3A_55, %dma_wait3A_56] : memref<4x16x1024xf32, #tpu.memory_space<vmem>> -> memref<1x16x1024xf32, #tpu.memory_space<vmem>>
    %dma_wait3A_58 = tpu.memref_squeeze %dma_wait3A_57 : memref<1x16x1024xf32, #tpu.memory_space<vmem>> -> memref<16x1024xf32, #tpu.memory_space<vmem>>
    %dma_wait3A_59 = arith.constant 0 : i32
    %dma_wait3A_60 = tpu.memref_slice %arg4[%add3A_53, %dma_wait3A_59] : memref<32768x1024xf32, #tpu.memory_space<hbm>> -> memref<16x1024xf32, #tpu.memory_space<hbm>>
    %dma_wait3A_61 = tpu.memref_slice %arg8[%dma_wait3A_54] : memref<4x!tpu.dma_semaphore, #tpu.memory_space<semaphore_mem>> -> memref<1x!tpu.dma_semaphore, #tpu.memory_space<semaphore_mem>>
    %dma_wait3A_62 = tpu.memref_squeeze %dma_wait3A_61 : memref<1x!tpu.dma_semaphore, #tpu.memory_space<semaphore_mem>> -> memref<!tpu.dma_semaphore, #tpu.memory_space<semaphore_mem>>
    %dma_wait3A_63 = arith.constant 0 : i32
    %dma_wait3A_64 = tpu.memref_slice %arg4[%add3A_53, %dma_wait3A_63] : memref<32768x1024xf32, #tpu.memory_space<hbm>> -> memref<16x1024xf32, #tpu.memory_space<hbm>>
    %dma_wait3A_65 = arith.constant 0 : i32
    %dma_wait3A_66 = arith.constant 0 : i32
    %dma_wait3A_67 = tpu.memref_slice %arg6[%dma_wait3A, %dma_wait3A_65, %dma_wait3A_66] : memref<4x16x1024xf32, #tpu.memory_space<vmem>> -> memref<1x16x1024xf32, #tpu.memory_space<vmem>>
    %dma_wait3A_68 = tpu.memref_squeeze %dma_wait3A_67 : memref<1x16x1024xf32, #tpu.memory_space<vmem>> -> memref<16x1024xf32, #tpu.memory_space<vmem>>
    tpu.wait_dma2 semaphore(%dma_wait3A_62 : memref<!tpu.dma_semaphore, #tpu.memory_space<semaphore_mem>>) src(%dma_wait3A_68 : memref<16x1024xf32, #tpu.memory_space<vmem>>) dst(%dma_wait3A_64 : memref<16x1024xf32, #tpu.memory_space<hbm>>)
    %add3A_69 = arith.constant 976 : i32
    %add3A_70 = arith.addi %mul3A_2, %add3A_69 : i32
    %dma_wait3A_71 = arith.constant 1 : i32
    %dma_wait3A_72 = arith.constant 1 : i32
    %dma_wait3A_73 = arith.constant 0 : i32
    %dma_wait3A_74 = arith.constant 0 : i32
    %dma_wait3A_75 = tpu.memref_slice %arg6[%dma_wait3A_71, %dma_wait3A_73, %dma_wait3A_74] : memref<4x16x1024xf32, #tpu.memory_space<vmem>> -> memref<1x16x1024xf32, #tpu.memory_space<vmem>>
    %dma_wait3A_76 = tpu.memref_squeeze %dma_wait3A_75 : memref<1x16x1024xf32, #tpu.memory_space<vmem>> -> memref<16x1024xf32, #tpu.memory_space<vmem>>
    %dma_wait3A_77 = arith.constant 0 : i32
    %dma_wait3A_78 = tpu.memref_slice %arg4[%add3A_70, %dma_wait3A_77] : memref<32768x1024xf32, #tpu.memory_space<hbm>> -> memref<16x1024xf32, #tpu.memory_space<hbm>>
    %dma_wait3A_79 = tpu.memref_slice %arg8[%dma_wait3A_72] : memref<4x!tpu.dma_semaphore, #tpu.memory_space<semaphore_mem>> -> memref<1x!tpu.dma_semaphore, #tpu.memory_space<semaphore_mem>>
    %dma_wait3A_80 = tpu.memref_squeeze %dma_wait3A_79 : memref<1x!tpu.dma_semaphore, #tpu.memory_space<semaphore_mem>> -> memref<!tpu.dma_semaphore, #tpu.memory_space<semaphore_mem>>
    %dma_wait3A_81 = arith.constant 0 : i32
    %dma_wait3A_82 = tpu.memref_slice %arg4[%add3A_70, %dma_wait3A_81] : memref<32768x1024xf32, #tpu.memory_space<hbm>> -> memref<16x1024xf32, #tpu.memory_space<hbm>>
    %dma_wait3A_83 = arith.constant 0 : i32
    %dma_wait3A_84 = arith.constant 0 : i32
    %dma_wait3A_85 = tpu.memref_slice %arg6[%dma_wait3A_71, %dma_wait3A_83, %dma_wait3A_84] : memref<4x16x1024xf32, #tpu.memory_space<vmem>> -> memref<1x16x1024xf32, #tpu.memory_space<vmem>>
    %dma_wait3A_86 = tpu.memref_squeeze %dma_wait3A_85 : memref<1x16x1024xf32, #tpu.memory_space<vmem>> -> memref<16x1024xf32, #tpu.memory_space<vmem>>
    tpu.wait_dma2 semaphore(%dma_wait3A_80 : memref<!tpu.dma_semaphore, #tpu.memory_space<semaphore_mem>>) src(%dma_wait3A_86 : memref<16x1024xf32, #tpu.memory_space<vmem>>) dst(%dma_wait3A_82 : memref<16x1024xf32, #tpu.memory_space<hbm>>)
    %add3A_87 = arith.constant 992 : i32
    %add3A_88 = arith.addi %mul3A_2, %add3A_87 : i32
    %dma_wait3A_89 = arith.constant 2 : i32
    %dma_wait3A_90 = arith.constant 2 : i32
    %dma_wait3A_91 = arith.constant 0 : i32
    %dma_wait3A_92 = arith.constant 0 : i32
    %dma_wait3A_93 = tpu.memref_slice %arg6[%dma_wait3A_89, %dma_wait3A_91, %dma_wait3A_92] : memref<4x16x1024xf32, #tpu.memory_space<vmem>> -> memref<1x16x1024xf32, #tpu.memory_space<vmem>>
    %dma_wait3A_94 = tpu.memref_squeeze %dma_wait3A_93 : memref<1x16x1024xf32, #tpu.memory_space<vmem>> -> memref<16x1024xf32, #tpu.memory_space<vmem>>
    %dma_wait3A_95 = arith.constant 0 : i32
    %dma_wait3A_96 = tpu.memref_slice %arg4[%add3A_88, %dma_wait3A_95] : memref<32768x1024xf32, #tpu.memory_space<hbm>> -> memref<16x1024xf32, #tpu.memory_space<hbm>>
    %dma_wait3A_97 = tpu.memref_slice %arg8[%dma_wait3A_90] : memref<4x!tpu.dma_semaphore, #tpu.memory_space<semaphore_mem>> -> memref<1x!tpu.dma_semaphore, #tpu.memory_space<semaphore_mem>>
    %dma_wait3A_98 = tpu.memref_squeeze %dma_wait3A_97 : memref<1x!tpu.dma_semaphore, #tpu.memory_space<semaphore_mem>> -> memref<!tpu.dma_semaphore, #tpu.memory_space<semaphore_mem>>
    %dma_wait3A_99 = arith.constant 0 : i32
    %dma_wait3A_100 = tpu.memref_slice %arg4[%add3A_88, %dma_wait3A_99] : memref<32768x1024xf32, #tpu.memory_space<hbm>> -> memref<16x1024xf32, #tpu.memory_space<hbm>>
    %dma_wait3A_101 = arith.constant 0 : i32
    %dma_wait3A_102 = arith.constant 0 : i32
    %dma_wait3A_103 = tpu.memref_slice %arg6[%dma_wait3A_89, %dma_wait3A_101, %dma_wait3A_102] : memref<4x16x1024xf32, #tpu.memory_space<vmem>> -> memref<1x16x1024xf32, #tpu.memory_space<vmem>>
    %dma_wait3A_104 = tpu.memref_squeeze %dma_wait3A_103 : memref<1x16x1024xf32, #tpu.memory_space<vmem>> -> memref<16x1024xf32, #tpu.memory_space<vmem>>
    tpu.wait_dma2 semaphore(%dma_wait3A_98 : memref<!tpu.dma_semaphore, #tpu.memory_space<semaphore_mem>>) src(%dma_wait3A_104 : memref<16x1024xf32, #tpu.memory_space<vmem>>) dst(%dma_wait3A_100 : memref<16x1024xf32, #tpu.memory_space<hbm>>)
    %add3A_105 = arith.constant 1008 : i32
    %add3A_106 = arith.addi %mul3A_2, %add3A_105 : i32
    %dma_wait3A_107 = arith.constant 3 : i32
    %dma_wait3A_108 = arith.constant 3 : i32
    %dma_wait3A_109 = arith.constant 0 : i32
    %dma_wait3A_110 = arith.constant 0 : i32
    %dma_wait3A_111 = tpu.memref_slice %arg6[%dma_wait3A_107, %dma_wait3A_109, %dma_wait3A_110] : memref<4x16x1024xf32, #tpu.memory_space<vmem>> -> memref<1x16x1024xf32, #tpu.memory_space<vmem>>
    %dma_wait3A_112 = tpu.memref_squeeze %dma_wait3A_111 : memref<1x16x1024xf32, #tpu.memory_space<vmem>> -> memref<16x1024xf32, #tpu.memory_space<vmem>>
    %dma_wait3A_113 = arith.constant 0 : i32
    %dma_wait3A_114 = tpu.memref_slice %arg4[%add3A_106, %dma_wait3A_113] : memref<32768x1024xf32, #tpu.memory_space<hbm>> -> memref<16x1024xf32, #tpu.memory_space<hbm>>
    %dma_wait3A_115 = tpu.memref_slice %arg8[%dma_wait3A_108] : memref<4x!tpu.dma_semaphore, #tpu.memory_space<semaphore_mem>> -> memref<1x!tpu.dma_semaphore, #tpu.memory_space<semaphore_mem>>
    %dma_wait3A_116 = tpu.memref_squeeze %dma_wait3A_115 : memref<1x!tpu.dma_semaphore, #tpu.memory_space<semaphore_mem>> -> memref<!tpu.dma_semaphore, #tpu.memory_space<semaphore_mem>>
    %dma_wait3A_117 = arith.constant 0 : i32
    %dma_wait3A_118 = tpu.memref_slice %arg4[%add3A_106, %dma_wait3A_117] : memref<32768x1024xf32, #tpu.memory_space<hbm>> -> memref<16x1024xf32, #tpu.memory_space<hbm>>
    %dma_wait3A_119 = arith.constant 0 : i32
    %dma_wait3A_120 = arith.constant 0 : i32
    %dma_wait3A_121 = tpu.memref_slice %arg6[%dma_wait3A_107, %dma_wait3A_119, %dma_wait3A_120] : memref<4x16x1024xf32, #tpu.memory_space<vmem>> -> memref<1x16x1024xf32, #tpu.memory_space<vmem>>
    %dma_wait3A_122 = tpu.memref_squeeze %dma_wait3A_121 : memref<1x16x1024xf32, #tpu.memory_space<vmem>> -> memref<16x1024xf32, #tpu.memory_space<vmem>>
    tpu.wait_dma2 semaphore(%dma_wait3A_116 : memref<!tpu.dma_semaphore, #tpu.memory_space<semaphore_mem>>) src(%dma_wait3A_122 : memref<16x1024xf32, #tpu.memory_space<vmem>>) dst(%dma_wait3A_118 : memref<16x1024xf32, #tpu.memory_space<hbm>>)
    return
  }
}

</mosaic_0001>

<sc_bundles>
// kernel: kernel.3.cloned.1.call-start
scs
__scs_entry_jumppad:
0x0: {  	(pc) =	sbr.rel $0x88, $3  }
0x1: {  	(tag) =	ssettag $0x0;
	lr =	simm.s32 $0x1  }
0x2: {  	[smem:$0x3F9F] =	sst lr;
	_ =	strace $0xD0000000  }
0x3: {  	_ = 	snop  }
0x4: {  	_ = 	snop  }
0x5: {  	_ = 	snop  }
0x6: {  	_ = 	snop  }
0x7: {  	_ = 	snop  }
__scs_overlays_trampoline_lowered:
0x8: {  	[smem:$0x3FAE] =	sst s0  }
0x9: {  	[smem:$0x3FAF] =	sst s1  }
0xa: {  	[smem:$0x3FB0] =	sst s2  }
0xb: {  	[smem:$0x3FB1] =	sst s3  }
0xc: {  	[smem:$0x3FB2] =	sst s4  }
0xd: {  	[smem:$0x3FB3] =	sst s5  }
0xe: {  	[smem:$0x3FB4] =	sst s6  }
0xf: {  	[smem:$0x3FB5] =	sst s7  }
0x10: {  	[smem:$0x3FB6] =	sst s8  }
0x11: {  	[smem:$0x3FB7] =	sst s9;
	s0 =	simm.s32 @!p0 $0x0  }
0x12: {  	s1 =	sld [smem:$0x3F9D];
	s0 =	simm.s32 @p0 $0x1  }
0x13: {  	[smem:$0x3FB8] =	sst s0;
	s0 =	simm.s32 @!p1 $0x0  }
0x14: {  	s2 =	sld [smem:$0x3F9C];
	s0 =	simm.s32 @p1 $0x1  }
0x15: {  	[smem:$0x3FB9] =	sst s0;
	s0 =	simm.s32 @!p2 $0x0  }
0x16: {  	s3 =	sld [smem:$0x3FDB];
	s0 =	simm.s32 @p2 $0x1  }
0x17: {  	s4 =	simm.s32 $0x1BF5;
	[smem:$0x3FBB] =	sst s0  }
0x18: {  	s0 =	sld [smem:$0x3F9E];
	_ =	swait.ge [sflag:s4], $0x0  }
0x19: {  	s7 =	sld [smem:$0x3F9F]  }
0x1a: {  	s8 =	sadd.s32 $0xFFFFE003, lr  }
0x1b: {  	s9 =	sadd.s32 $0xFFFFFEF7, lr;
	s5 =	simm.s32 $0xFFFFFFFF;
	p2 =	slt.u32 s8, $0xFFFFF086  }
0x1c: {  	p1 =	slt.u32 s9, $0xF7A;
	s5 =	simm.s32 @!p2 $0x0  }
0x1d: {  	s5 =	simm.s32 @p1 $0x1;
	p0 =	seq.s32 s7, s2  }
0x1e: {  	s7 =	smul.u32 @!p0 $0xF7A, s2;
	p2 =	seq.s32 @!p0 s5, $0x0  }
0x1f: {  	s9 =	smul.u32 $0xF7A, s1;
	s8 =	simm.s32 @!p0 $0x1BF5;
	p2 =	por !p2, p0  }
0x20: {  	[sflag:s8] =	ssyncset.s32 @!p0 $0xFFFFF086;
	s6 =	sadd.s32 @!p0 s3, s7;
	s7 =	simm.s32 @!p0 $0x108  }
0x21: {  	s3 =	sadd.s32 s3, s9;
	s6 =	sadd.s32 @!p0 $0x88, s6;
	s7 =	simm.s32 @p2 $0x1082  }
0x22: {  	[simem:s7], [sflag:s8] =	dma.local @!p0 [hbm:s6], $0xF7A  }
0x23: {  	s9 =	sor.u32 $0xD0000000, s2;
	s6 =	simm.s32 $0x108;
	_ =	swait.ge @!p0 [sflag:s8], $0x0  }
0x24: {  	s3 =	sadd.s32 $0x88, s3;
	s6 =	simm.s32 @!p1 $0x1082;
	[sflag:s4] =	ssyncset.s32 $0xFFFFF086  }
0x25: {  	[simem:s6], [sflag:s4] =	dma.local [hbm:s3], $0xF7A  }
0x26: {  	[smem:$0x3F9F] =	sst s1;
	(tag) =	ssettag s2;
	_ =	strace s9  }
0x27: {  	s1 =	sld [smem:$0x3FAF]  }
0x28: {  	s2 =	sld [smem:$0x3FB0]  }
0x29: {  	s4 =	sld [smem:$0x3FB2]  }
0x2a: {  	p0 =	seq.s32 s5, $0x0;
	s5 =	sld [smem:$0x3FB3]  }
0x2b: {  	s6 =	sld [smem:$0x3FB4]  }
0x2c: {  	s7 =	sld [smem:$0x3FB5]  }
0x2d: {  	s3 =	simm.s32 $0x108;
	s8 =	sld [smem:$0x3FB6]  }
0x2e: {  	s3 =	simm.s32 @!p0 $0x1082;
	s9 =	sld [smem:$0x3FB7]  }
0x2f: {  	lr =	sadd.s32 s0, s3;
	s0 =	sld [smem:$0x3FAE]  }
0x30: {  	s3 =	sld [smem:$0x3FB1]  }
0x31: {  	[smem:$0x3FBA] =	sst s10  }
0x32: {  	s10 =	sld [smem:$0x3FB8];
	_ =	sdelay $0x3  }
0x33: {  	p0 =	seq.s32 s10, $0x1;
	s10 =	sld [smem:$0x3FBA];
	_ =	sdelay $0x3  }
0x34: {  	[smem:$0x3FBA] =	sst s10  }
0x35: {  	s10 =	sld [smem:$0x3FB9];
	_ =	sdelay $0x3  }
0x36: {  	p1 =	seq.s32 s10, $0x1;
	s10 =	sld [smem:$0x3FBA];
	_ =	sdelay $0x3  }
0x37: {  	[smem:$0x3FBA] =	sst s10  }
0x38: {  	s10 =	sld [smem:$0x3FBB]  }
0x39: {  	_ = 	snop;
	(pc) =	sbr.ind lr, $3  }
0x3a: {  	_ = 	snop  }
0x3b: {  	_ = 	snop  }
0x3c: {  	p2 =	seq.s32 s10, $0x1;
	s10 =	sld [smem:$0x3FBA]  }
0x3d: {  	_ =	shalt  }
0x3e: {  	_ =	shalt  }
0x3f: {  	_ =	shalt  }
0x40: {  	_ =	shalt  }
0x41: {  	_ =	shalt  }
0x42: {  	_ =	shalt  }
0x43: {  	_ =	shalt  }
0x44: {  	_ =	shalt  }
0x45: {  	_ =	shalt  }
0x46: {  	_ =	shalt  }
0x47: {  	_ =	shalt  }
0x48: {  	_ =	shalt  }
0x49: {  	_ =	shalt  }
0x4a: {  	_ =	shalt  }
0x4b: {  	_ =	shalt  }
0x4c: {  	_ =	shalt  }
0x4d: {  	_ =	shalt  }
0x4e: {  	_ =	shalt  }
0x4f: {  	_ =	shalt  }
0x50: {  	_ =	shalt  }
0x51: {  	_ =	shalt  }
0x52: {  	_ =	shalt  }
0x53: {  	_ =	shalt  }
0x54: {  	_ =	shalt  }
0x55: {  	_ =	shalt  }
0x56: {  	_ =	shalt  }
0x57: {  	_ =	shalt  }
0x58: {  	_ =	shalt  }
0x59: {  	_ =	shalt  }
0x5a: {  	_ =	shalt  }
0x5b: {  	_ =	shalt  }
0x5c: {  	_ =	shalt  }
0x5d: {  	_ =	shalt  }
0x5e: {  	_ =	shalt  }
0x5f: {  	_ =	shalt  }
0x60: {  	_ =	shalt  }
0x61: {  	_ =	shalt  }
0x62: {  	_ =	shalt  }
0x63: {  	_ =	shalt  }
0x64: {  	_ =	shalt  }
0x65: {  	_ =	shalt  }
0x66: {  	_ =	shalt  }
0x67: {  	_ =	shalt  }
0x68: {  	_ =	shalt  }
0x69: {  	_ =	shalt  }
0x6a: {  	_ =	shalt  }
0x6b: {  	_ =	shalt  }
0x6c: {  	_ =	shalt  }
0x6d: {  	_ =	shalt  }
0x6e: {  	_ =	shalt  }
0x6f: {  	_ =	shalt  }
0x70: {  	_ =	shalt  }
0x71: {  	_ =	shalt  }
0x72: {  	_ =	shalt  }
0x73: {  	_ =	shalt  }
0x74: {  	_ =	shalt  }
0x75: {  	_ =	shalt  }
0x76: {  	_ =	shalt  }
0x77: {  	_ =	shalt  }
0x78: {  	_ =	shalt  }
0x79: {  	_ =	shalt  }
0x7a: {  	_ =	shalt  }
0x7b: {  	_ =	shalt  }
0x7c: {  	_ =	shalt  }
0x7d: {  	_ =	shalt  }
0x7e: {  	_ =	shalt  }
0x7f: {  	_ =	shalt  }
0x80: {  	_ =	shalt  }
0x81: {  	_ =	shalt  }
0x82: {  	_ =	shalt  }
0x83: {  	_ =	shalt  }
0x84: {  	_ =	shalt  }
0x85: {  	_ =	shalt  }
0x86: {  	_ =	shalt  }
0x87: {  	_ =	shalt  }
.Lfunc_end0:
.L_simem_size_0:
called_computation_lowered:
.L_overlay_start_0:
0x88: {  	s2 =	sld [smem:$0x3FD9]  }
0x89: {  	s3 =	sld [smem:$0x3FFE];
	_ =	sdelay $0x1  }
0x8a: {  	s1 =	srdreg.scid  }
0x8b: {  	s0 =	sand.u32 $0x1, s1  }
0x8c: {  	s17 =	sshll.u32 s0, $0xA;
	s2 =	sadd.s32 s3, s2  }
0x8d: {  	s2 =	sadd.s32 s2, s17  }
0x8e: {  	[smem:$0x3FC6] =	sst s2  }
0x8f: {  	_ = 	snop  }
0x90: {  	s2 =	sld [smem:$0x3FC8]  }
0x91: {  	s18 =	sld [smem:$0x3FD0];
	(tm) =	ssettm $0x1  }
0x92: {  	s4 =	sld [smem:$0x3FFB];
	_ =	sdelay $0x3  }
0x93: {  	_ =	strace s4  }
0x94: {  	s4 =	sld [smem:$0x3FFC];
	_ =	sdelay $0x3  }
0x95: {  	_ =	strace s4  }
0x96: {  	s4 =	sld [smem:$0x3FFD];
	_ =	sdelay $0x3  }
0x97: {  	_ =	strace s4  }
0x98: {  	_ =	strace $0x8FFFFFFF  }
0x99: {  	s19 =	sld [smem:$0x3FDB];
	_ =	sdelay $0x1  }
0x9a: {  	s5 =	simm.s32 $_scs_section_size  }
0x9b: {  	s6 =	simm.s32 $_size__tile_overlayer_lowered;
	s7 =	simm.s32 $_tile_overlayer_lowered  }
0x9c: {  	s22 =	simm.s32 $0x1BFF;
	s21 =	sshll.u32 s7, $0x1;
	s4 =	sadd.s32 s5, s19  }
0x9d: {  	s8 =	simm.s32 $0x0;
	s20 =	sshll.u32 s6, $0x1;
	s6 =	sadd.s32 s21, s4  }
0x9e: {  	[timem:s8], [sflag:s22] =	dma.local [hbm:s6], s20  }
0x9f: {  	_ =	swait.ge [sflag:s22], s20  }
0xa0: {  	s5 =	ssub.s32 $0x0, s20;
	[sflag:s22] =	ssyncset.done $0x0  }
0xa1: {  	[sflag:s22] =	ssyncadd.s32 s5;
	_ =	sdelay $0x1  }
0xa2: {  	s23 =	simm.s32 $0x1B8B  }
0xa3: {  	_ =	swait.ge [sflag:s23], $0x1  }
0xa4: {  	[sflag:s23] =	ssyncset.done $0x0  }
0xa5: {  	s25 =	simm.s32 $0x1B8E;
	s24 =	sld [smem:$0x3FFE];
	[sflag:s23] =	ssyncadd.s32 $0xFFFFFFFF  }
0xa6: {  	s26 =	simm.s32 $execute0_lowered;
	[smem:$0x3FD2] =	sst s25  }
0xa7: {  	s6 =	sshll.u32 s26, $0x1;
	_ =	strace $0x80000046;
	[dreg:$0x1] =	wrdreg $0xFFFFFFFF  }
0xa8: {  	s28 =	simm.s32 $_size_execute0_lowered;
	s4 =	sadd.s32 s4, s6;
	[dreg:$0x0] =	wrdreg $0x0  }
0xa9: {  	s6 =	sshll.u32 s28, $0x1;
	[dreg:$0x2] =	wrdreg s4  }
0xaa: {  	[dreg:$0x3] =	wrdreg s6  }
0xab: {  	[dreg:$0x4] =	wrdreg $0xC0  }
0xac: {  	_ =	task [dreg:s8], $0x5FFFF  }
0xad: {  	[dreg:$0x1] =	wrdreg $0xFFFFFFFF  }
0xae: {  	[dreg:$0x0] =	wrdreg $0x60  }
0xaf: {  	[dreg:$0x2] =	wrdreg s24  }
0xb0: {  	[dreg:$0x3] =	wrdreg s2  }
0xb1: {  	[dreg:$0x4] =	wrdreg s18  }
0xb2: {  	[dreg:$0x5] =	wrdreg $0x9  }
0xb3: {  	_ =	task.clear_ibuf [dreg:s8], $0x6FFFF;
	_ =	strace $0x90000046  }
0xb4: {  	s29 =	simm.s32 $0x9;
	_ =	strace $0x80000048  }
0xb5: {  	_ =	swait.ge [sflag:s29], $0x1  }
0xb6: {  	[sflag:s29] =	ssyncadd.s32 $0xFFFFFFFF  }
0xb7: {  	_ =	strace $0x90000048  }
0xb8: {  	_ =	sfence  }
0xb9: {  	s30 =	sld [smem:$0x0];
	_ =	sdelay $0x2  }
0xba: {  	s31 =	sshll.u32 s1, $0xD;
	s1 =	sshrl.u32 s1, $0x2  }
0xbb: {  	s3 =	sand.u32 $0x4000, s31;
	s1 =	sadd.s32 s1, s30  }
0xbc: {  	s0 =	sor.u32 s3, s0;
	s1 =	sshll.u32 s1, $0x11  }
0xbd: {  	s0 =	sor.u32 s1, s0  }
0xbe: {  	s0 =	sadd.s32 $0x8F2B, s0  }
0xbf: {  	[sflag:s0] =	ssyncadd.remote.s32 $0x1  }
0xc0: {  	_ =	sfence.sel $0xFFFF  }
0xc1: {  	[dreg:$0x0] =	wrdreg $0xFFFFFFFF;
	(pc) =	sbr.abs _section_cstart, $3  }
0xc2: {  	[dreg:$0x1] =	wrdreg $0xFFFFFFFF  }
0xc3: {  	_ =	task.clear_ibuf [dreg:s8], $0x2FFFF;
	_ =	strace $0x9FFFFFFF  }
0xc4: {  	(tm) =	ssettm $0x7FFFFFFF  }
0xc5: {  	_ =	shalt  }
tec
execute0_lowered:
.L_overlay_start_1:
0x0: {  	(tag) =	ssettag $0x1  }
0x1: {  	s0 =	rddreg [dreg:$0x0]  }
0x2: {  	s1 =	rddreg [dreg:$0x1]  }
0x3: {  	s2 =	rddreg [dreg:$0x2];
	s4 =	srdreg.scid;
	s3 =	simm.s32 $0x0  }
0x4: {  	s9 =	stileid.u32;
	s11 =	simm.s32 $0x2000;
	s19 =	simm.s32 $0x6000  }
0x5: {  	s28 =	simm.s32 $0xA000;
	s10 =	simm.s32 $0x1;
	s12 =	simm.s32 $0xE000  }
0x6: {  	s13 =	simm.s32 $0xE800;
	s14 =	simm.s32 $0xF000;
	s15 =	simm.s32 $0xF800  }
0x7: {  	s16 =	simm.s32 $0x10000;
	s17 =	simm.s32 $0x10800;
	s18 =	simm.s32 $0x11000  }
0x8: {  	s20 =	simm.s32 $0x11800;
	s21 =	simm.s32 $0x2;
	s22 =	simm.s32 $0x3  }
0x9: {  	s23 =	simm.s32 $0x4;
	s24 =	simm.s32 $0x5;
	s30 =	simm.s32 $0x0  }
0xa: {  	s4 =	sand.u32 $0x1, s4;
	s5 =	sshll.u32 s9, $0xB;
	[smem:$0x7FF] =	sst s3  }
0xb: {  	s26 =	sshll.u32 s9, $0x12;
	s6 =	sshll.u32 s4, $0xA;
	s7 =	ssub.s32 $0x2, s4  }
0xc: {  	_ =	strace $0x80000047;
	s29 =	sshll.u32 s4, $0x11;
	s4 =	simm.s32 $0xD000  }
0xd: {  	s5 =	sor.u32 s6, s5;
	s25 =	sshrl.u32 s7, $0x1;
	s6 =	sadd.s32 $0x200, s1  }
.Ltmp0:
0xe: {  	s0 =	sadd.s32 s5, s0;
	s8 =	ssub.s32 s7, s25;
	(pc) =	sbr.rel .LBB2_1-.Ltmp0, $4  }
0xf: {  	s5 =	sadd.s32 $0x100, s1;
	s7 =	sadd.s32 $0x300, s1;
	s0 =	sadd.s32 $0x400, s0  }
0x10: {  	v2 =	vlaneseq.u32;
	s25 =	simm.s32 $0x6;
	s31 =	smax.u32 s8, $0x1;
	[dreg:$0x4] =	wrdreg s0  }
0x11: {  	vm0 =	vmmov $0xffff;
	v1 =	vshrl.u32 v2, $0x3;
	s8 =	simm.s32 $0xD800;
	s0 =	sadd.s32 s26, s2;
	[dreg:$0x5] =	wrdreg s31  }
0x12: {  	v0 =	vand.u32 $0x7, v2;
	v2 =	vor.u32 $0x8, v2;
	v1 =	vmul.u32 $0x8, v1;
	s2 =	simm.s32 $0xA800;
	s26 =	simm.s32 $0x7;
	s9 =	sadd.s32 s29, s0  }
.LBB2_7:
0x13: {  	_ =	swait.ge [sflag:s24], $0x4000  }
0x14: {  	[sflag:s24] =	ssyncset.done $0x0  }
0x15: {  	[sflag:s24] =	ssyncadd.s32 $0xFFFFC000  }
0x16: {  	_ =	swait.ge [sflag:s25], $0x4000  }
0x17: {  	[sflag:s25] =	ssyncset.done $0x0  }
0x18: {  	[sflag:s25] =	ssyncadd.s32 $0xFFFFC000  }
0x19: {  	_ =	swait.ge [sflag:s26], $0x4000  }
0x1a: {  	[sflag:s26] =	ssyncset.done $0x0  }
0x1b: {  	s29 =	simm.s32 $0x8;
	[sflag:s26] =	ssyncadd.s32 $0xFFFFC000  }
0x1c: {  	_ =	swait.ge [sflag:s29], $0x4000  }
0x1d: {  	s30 =	rddreg [dreg:$0x6]  }
0x1e: {  	s0 =	rddreg [dreg:$0x5];
	s30 =	sadd.s32 $0x1, s30  }
0x1f: {  	p0 =	sne.s32 s30, s0  }
.Ltmp1:
0x20: {  	_ = 	snop;
	(pc) =	sbr.rel @!p0 .LBB2_8-.Ltmp1, $3  }
0x21: {  	_ =	sdelay $0x1  }
0x22: {  	[sflag:s29] =	ssyncset.done $0x0  }
0x23: {  	[sflag:s29] =	ssyncadd.s32 $0xFFFFC000  }
.LBB2_1:
0x24: {  	[dreg:$0x6] =	wrdreg s30  }
0x25: {  	s0 =	rddreg [dreg:$0x4];
	s31 =	simm.s32 $0x9  }
0x26: {  	[tilespmem:s3], [sflag:$0x9] =	stream.linear.gather [hbm4b:s0+s3], $0x2000, $0x38;
	[tilespmem:$0x12000] =	vst v63  }
0x27: {  	_ =	swait.ge [sflag:s31], $0x2000  }
0x28: {  	[sflag:s31] =	ssyncset.done $0x0  }
0x29: {  	[sflag:s31] =	ssyncadd.s32 $0xFFFFE000  }
0x2a: {  	v3 =	vld [tilespmem:$0x0];
	_ =	sdelay $0x4  }
0x2b: {  	v4 =	vshll.u32 v3, $0x3  }
0x2c: {  	v3 =	vand.u32 $0x7, v3;
	v4 =	vand.u32 $0xFFFFFFC0, v4  }
0x2d: {  	v3 =	vor.u32 v3, v4  }
0x2e: {  	v4 =	vperm.xlane v3, v0;
	_ =	sdelay $0x1  }
0x2f: {  	v4 =	vadd.s32 v1, v4;
	_ =	sdelay $0x4  }
0x30: {  	[tilespmem:s11], [sflag:$0x1] =	stream.indirect_vreg.gather [hbm4b:s1+s3], $0x80, v4, vm0, $0xb8;
	[tilespmem:$0x12000] =	vst v63  }
0x31: {  	s31 =	simm.s32 $0x2800;
	v3 =	vperm.xlane v3, v2  }
0x32: {  	[tilespmem:s31], [sflag:$0x1] =	stream.indirect_vreg.gather [hbm4b:s5+s3], $0x80, v4, vm0, $0xb8;
	[tilespmem:$0x12000] =	vst v63  }
0x33: {  	v3 =	vadd.s32 v1, v3;
	s31 =	simm.s32 $0x3000  }
0x34: {  	[tilespmem:s31], [sflag:$0x1] =	stream.indirect_vreg.gather [hbm4b:s6+s3], $0x80, v4, vm0, $0xb8;
	[tilespmem:$0x12000] =	vst v63  }
0x35: {  	s31 =	simm.s32 $0x3800  }
0x36: {  	[tilespmem:s31], [sflag:$0x1] =	stream.indirect_vreg.gather [hbm4b:s7+s3], $0x80, v4, vm0, $0xb8;
	[tilespmem:$0x12000] =	vst v63  }
0x37: {  	s31 =	simm.s32 $0x4000  }
0x38: {  	[tilespmem:s31], [sflag:$0x1] =	stream.indirect_vreg.gather [hbm4b:s1+s3], $0x80, v3, vm0, $0xb8;
	[tilespmem:$0x12000] =	vst v63  }
0x39: {  	s31 =	simm.s32 $0x4800  }
0x3a: {  	[tilespmem:s31], [sflag:$0x1] =	stream.indirect_vreg.gather [hbm4b:s5+s3], $0x80, v3, vm0, $0xb8;
	[tilespmem:$0x12000] =	vst v63  }
0x3b: {  	s31 =	simm.s32 $0x5000  }
0x3c: {  	[tilespmem:s31], [sflag:$0x1] =	stream.indirect_vreg.gather [hbm4b:s6+s3], $0x80, v3, vm0, $0xb8;
	[tilespmem:$0x12000] =	vst v63  }
0x3d: {  	s31 =	simm.s32 $0x5800  }
0x3e: {  	[tilespmem:s31], [sflag:$0x1] =	stream.indirect_vreg.gather [hbm4b:s7+s3], $0x80, v3, vm0, $0xb8;
	[tilespmem:$0x12000] =	vst v63  }
0x3f: {  	v3 =	vld [tilespmem:$0x80];
	_ =	sdelay $0x4  }
0x40: {  	v62 =	vshll.u32 v3, $0x3  }
0x41: {  	v3 =	vand.u32 $0x7, v3;
	v4 =	vand.u32 $0xFFFFFFC0, v62  }
0x42: {  	v3 =	vor.u32 v3, v4  }
0x43: {  	v4 =	vperm.xlane v3, v0;
	_ =	sdelay $0x1  }
0x44: {  	v4 =	vadd.s32 v1, v4;
	_ =	sdelay $0x4  }
0x45: {  	[tilespmem:s19], [sflag:$0x2] =	stream.indirect_vreg.gather [hbm4b:s1+s3], $0x80, v4, vm0, $0xb8;
	[tilespmem:$0x12000] =	vst v63  }
0x46: {  	s31 =	simm.s32 $0x6800;
	v3 =	vperm.xlane v3, v2  }
0x47: {  	[tilespmem:s31], [sflag:$0x2] =	stream.indirect_vreg.gather [hbm4b:s5+s3], $0x80, v4, vm0, $0xb8;
	[tilespmem:$0x12000] =	vst v63  }
0x48: {  	v3 =	vadd.s32 v1, v3;
	s31 =	simm.s32 $0x7000  }
0x49: {  	[tilespmem:s31], [sflag:$0x2] =	stream.indirect_vreg.gather [hbm4b:s6+s3], $0x80, v4, vm0, $0xb8;
	[tilespmem:$0x12000] =	vst v63  }
0x4a: {  	s31 =	simm.s32 $0x7800  }
0x4b: {  	[tilespmem:s31], [sflag:$0x2] =	stream.indirect_vreg.gather [hbm4b:s7+s3], $0x80, v4, vm0, $0xb8;
	[tilespmem:$0x12000] =	vst v63  }
0x4c: {  	s31 =	simm.s32 $0x8000  }
0x4d: {  	[tilespmem:s31], [sflag:$0x2] =	stream.indirect_vreg.gather [hbm4b:s1+s3], $0x80, v3, vm0, $0xb8;
	[tilespmem:$0x12000] =	vst v63  }
0x4e: {  	s31 =	simm.s32 $0x8800  }
0x4f: {  	[tilespmem:s31], [sflag:$0x2] =	stream.indirect_vreg.gather [hbm4b:s5+s3], $0x80, v3, vm0, $0xb8;
	[tilespmem:$0x12000] =	vst v63  }
0x50: {  	s31 =	simm.s32 $0x9000  }
0x51: {  	[tilespmem:s31], [sflag:$0x2] =	stream.indirect_vreg.gather [hbm4b:s6+s3], $0x80, v3, vm0, $0xb8;
	[tilespmem:$0x12000] =	vst v63  }
0x52: {  	s31 =	simm.s32 $0x9800  }
0x53: {  	[tilespmem:s31], [sflag:$0x2] =	stream.indirect_vreg.gather [hbm4b:s7+s3], $0x80, v3, vm0, $0xb8;
	[tilespmem:$0x12000] =	vst v63  }
0x54: {  	v3 =	vld [tilespmem:$0x100];
	_ =	sdelay $0x4  }
0x55: {  	v63 =	vshll.u32 v3, $0x3  }
0x56: {  	v3 =	vand.u32 $0x7, v3;
	v4 =	vand.u32 $0xFFFFFFC0, v63  }
0x57: {  	v3 =	vor.u32 v3, v4  }
0x58: {  	v4 =	vperm.xlane v3, v0;
	_ =	sdelay $0x1  }
0x59: {  	v4 =	vadd.s32 v1, v4;
	_ =	sdelay $0x4  }
0x5a: {  	[tilespmem:s28], [sflag:$0x3] =	stream.indirect_vreg.gather [hbm4b:s1+s3], $0x80, v4, vm0, $0xb8;
	[tilespmem:$0x12000] =	vst v63  }
0x5b: {  	v3 =	vperm.xlane v3, v2  }
0x5c: {  	[tilespmem:s2], [sflag:$0x3] =	stream.indirect_vreg.gather [hbm4b:s5+s3], $0x80, v4, vm0, $0xb8;
	[tilespmem:$0x12000] =	vst v63  }
0x5d: {  	s31 =	simm.s32 $0xB000;
	v3 =	vadd.s32 v1, v3  }
0x5e: {  	[tilespmem:s31], [sflag:$0x3] =	stream.indirect_vreg.gather [hbm4b:s6+s3], $0x80, v4, vm0, $0xb8;
	[tilespmem:$0x12000] =	vst v63  }
0x5f: {  	s31 =	simm.s32 $0xB800  }
0x60: {  	[tilespmem:s31], [sflag:$0x3] =	stream.indirect_vreg.gather [hbm4b:s7+s3], $0x80, v4, vm0, $0xb8;
	[tilespmem:$0x12000] =	vst v63  }
0x61: {  	s31 =	simm.s32 $0xC000  }
0x62: {  	[tilespmem:s31], [sflag:$0x3] =	stream.indirect_vreg.gather [hbm4b:s1+s3], $0x80, v3, vm0, $0xb8;
	[tilespmem:$0x12000] =	vst v63  }
0x63: {  	s31 =	simm.s32 $0xC800  }
0x64: {  	[tilespmem:s31], [sflag:$0x3] =	stream.indirect_vreg.gather [hbm4b:s5+s3], $0x80, v3, vm0, $0xb8;
	[tilespmem:$0x12000] =	vst v63  }
0x65: {  	_ = 	snop  }
0x66: {  	[tilespmem:s4], [sflag:$0x3] =	stream.indirect_vreg.gather [hbm4b:s6+s3], $0x80, v3, vm0, $0xb8;
	[tilespmem:$0x12000] =	vst v63  }
0x67: {  	s29 =	simm.s32 $0x300;
	s30 =	simm.s32 $0x0  }
0x68: {  	[tilespmem:s8], [sflag:$0x3] =	stream.indirect_vreg.gather [hbm4b:s7+s3], $0x80, v3, vm0, $0xb8;
	[tilespmem:$0x12000] =	vst v63  }
.LBB2_2:
0x69: {  	_ =	swait.ge [sflag:s10], $0x4000  }
0x6a: {  	p0 =	seq.s32 s30, $0x0;
	[sflag:s10] =	ssyncset.done $0x0  }
0x6b: {  	s31 =	sadd.s32 s30, s9;
	s0 =	simm.s32 @!p0 $0x8;
	[sflag:s10] =	ssyncadd.s32 $0xFFFFC000  }
0x6c: {  	[hbm4b:s31+s3] =	stream.linear.scatter [tilespmem:s11], [sflag:$0x5], $0x4000, $0x38;
	[tilespmem:$0x12000] =	vst v63  }
0x6d: {  	_ =	swait.ge @!p0 [sflag:s0], $0x4000  }
0x6e: {  	[sflag:s0] =	ssyncset.done @!p0 $0x0  }
0x6f: {  	[sflag:s0] =	ssyncadd.s32 @!p0 $0xFFFFC000  }
0x70: {  	v3 =	vld [tilespmem:s29+$0xFFFFFE80];
	_ =	sdelay $0x4  }
0x71: {  	v4 =	vshll.u32 v3, $0x3  }
0x72: {  	v3 =	vand.u32 $0x7, v3;
	v4 =	vand.u32 $0xFFFFFFC0, v4  }
0x73: {  	v3 =	vor.u32 v3, v4  }
0x74: {  	v4 =	vperm.xlane v3, v0;
	_ =	sdelay $0x1  }
0x75: {  	v4 =	vadd.s32 v1, v4;
	_ =	sdelay $0x4  }
0x76: {  	[tilespmem:s12], [sflag:$0x4] =	stream.indirect_vreg.gather [hbm4b:s1+s3], $0x80, v4, vm0, $0xb8;
	[tilespmem:$0x12000] =	vst v63  }
0x77: {  	v3 =	vperm.xlane v3, v2  }
0x78: {  	[tilespmem:s13], [sflag:$0x4] =	stream.indirect_vreg.gather [hbm4b:s5+s3], $0x80, v4, vm0, $0xb8;
	[tilespmem:$0x12000] =	vst v63  }
0x79: {  	v3 =	vadd.s32 v1, v3  }
0x7a: {  	[tilespmem:s14], [sflag:$0x4] =	stream.indirect_vreg.gather [hbm4b:s6+s3], $0x80, v4, vm0, $0xb8;
	[tilespmem:$0x12000] =	vst v63  }
0x7b: {  	_ = 	snop  }
0x7c: {  	[tilespmem:s15], [sflag:$0x4] =	stream.indirect_vreg.gather [hbm4b:s7+s3], $0x80, v4, vm0, $0xb8;
	[tilespmem:$0x12000] =	vst v63  }
0x7d: {  	_ = 	snop  }
0x7e: {  	[tilespmem:s16], [sflag:$0x4] =	stream.indirect_vreg.gather [hbm4b:s1+s3], $0x80, v3, vm0, $0xb8;
	[tilespmem:$0x12000] =	vst v63  }
0x7f: {  	_ = 	snop  }
0x80: {  	[tilespmem:s17], [sflag:$0x4] =	stream.indirect_vreg.gather [hbm4b:s5+s3], $0x80, v3, vm0, $0xb8;
	[tilespmem:$0x12000] =	vst v63  }
0x81: {  	_ = 	snop  }
0x82: {  	[tilespmem:s18], [sflag:$0x4] =	stream.indirect_vreg.gather [hbm4b:s6+s3], $0x80, v3, vm0, $0xb8;
	[tilespmem:$0x12000] =	vst v63  }
0x83: {  	p0 =	seq.s32 s30, $0x1E000  }
0x84: {  	[tilespmem:s20], [sflag:$0x4] =	stream.indirect_vreg.gather [hbm4b:s7+s3], $0x80, v3, vm0, $0xb8;
	[tilespmem:$0x12000] =	vst v63  }
.Ltmp2:
0x85: {  	_ =	swait.ge [sflag:s21], $0x4000;
	(pc) =	sbr.rel @!p0 .LBB2_3-.Ltmp2, $4  }
0x86: {  	[sflag:s21] =	ssyncset.done $0x0  }
0x87: {  	s0 =	sadd.s32 $0x800, s31;
	[sflag:s21] =	ssyncadd.s32 $0xFFFFC000  }
0x88: {  	[hbm4b:s0+s3] =	stream.linear.scatter [tilespmem:s19], [sflag:$0x6], $0x4000, $0x38;
	[tilespmem:$0x12000] =	vst v63  }
0x89: {  	s0 =	sadd.s32 $0x1000, s31  }
.Ltmp3:
0x8a: {  	(pc) =	sbr.rel .LBB2_5-.Ltmp3, $4  }
0x8b: {  	_ =	swait.ge [sflag:s22], $0x4000  }
0x8c: {  	[sflag:s22] =	ssyncset.done $0x0  }
0x8d: {  	[sflag:s22] =	ssyncadd.s32 $0xFFFFC000  }
0x8e: {  	[hbm4b:s0+s3] =	stream.linear.scatter [tilespmem:s28], [sflag:$0x7], $0x4000, $0x38;
	[tilespmem:$0x12000] =	vst v63  }
.LBB2_3:
0x8f: {  	_ =	swait.ge [sflag:s24], $0x4000  }
0x90: {  	[sflag:s24] =	ssyncset.done $0x0  }
0x91: {  	[sflag:s24] =	ssyncadd.s32 $0xFFFFC000  }
0x92: {  	v3 =	vld [tilespmem:s29+$0xFFFFFF00];
	_ =	sdelay $0x4  }
0x93: {  	v4 =	vshll.u32 v3, $0x3  }
0x94: {  	v3 =	vand.u32 $0x7, v3;
	v4 =	vand.u32 $0xFFFFFFC0, v4  }
0x95: {  	v3 =	vor.u32 v3, v4  }
0x96: {  	v4 =	vperm.xlane v3, v0;
	_ =	sdelay $0x1  }
0x97: {  	v4 =	vadd.s32 v1, v4;
	_ =	sdelay $0x4  }
0x98: {  	[tilespmem:s11], [sflag:$0x1] =	stream.indirect_vreg.gather [hbm4b:s1+s3], $0x80, v4, vm0, $0xb8;
	[tilespmem:$0x12000] =	vst v63  }
0x99: {  	s2 =	simm.s32 $0x2800;
	v3 =	vperm.xlane v3, v2  }
0x9a: {  	[tilespmem:s2], [sflag:$0x1] =	stream.indirect_vreg.gather [hbm4b:s5+s3], $0x80, v4, vm0, $0xb8;
	[tilespmem:$0x12000] =	vst v63  }
0x9b: {  	v3 =	vadd.s32 v1, v3;
	s2 =	simm.s32 $0x3000  }
0x9c: {  	[tilespmem:s2], [sflag:$0x1] =	stream.indirect_vreg.gather [hbm4b:s6+s3], $0x80, v4, vm0, $0xb8;
	[tilespmem:$0x12000] =	vst v63  }
0x9d: {  	s2 =	simm.s32 $0x3800  }
0x9e: {  	[tilespmem:s2], [sflag:$0x1] =	stream.indirect_vreg.gather [hbm4b:s7+s3], $0x80, v4, vm0, $0xb8;
	[tilespmem:$0x12000] =	vst v63  }
0x9f: {  	s2 =	simm.s32 $0x4000  }
0xa0: {  	[tilespmem:s2], [sflag:$0x1] =	stream.indirect_vreg.gather [hbm4b:s1+s3], $0x80, v3, vm0, $0xb8;
	[tilespmem:$0x12000] =	vst v63  }
0xa1: {  	s2 =	simm.s32 $0x4800  }
0xa2: {  	[tilespmem:s2], [sflag:$0x1] =	stream.indirect_vreg.gather [hbm4b:s5+s3], $0x80, v3, vm0, $0xb8;
	[tilespmem:$0x12000] =	vst v63  }
0xa3: {  	s2 =	simm.s32 $0x5000  }
0xa4: {  	[tilespmem:s2], [sflag:$0x1] =	stream.indirect_vreg.gather [hbm4b:s6+s3], $0x80, v3, vm0, $0xb8;
	[tilespmem:$0x12000] =	vst v63  }
0xa5: {  	s2 =	simm.s32 $0x5800  }
0xa6: {  	[tilespmem:s2], [sflag:$0x1] =	stream.indirect_vreg.gather [hbm4b:s7+s3], $0x80, v3, vm0, $0xb8;
	[tilespmem:$0x12000] =	vst v63  }
0xa7: {  	_ =	swait.ge [sflag:s22], $0x4000  }
0xa8: {  	[sflag:s22] =	ssyncset.done $0x0  }
0xa9: {  	[sflag:s22] =	ssyncadd.s32 $0xFFFFC000  }
0xaa: {  	[hbm4b:s0+s3] =	stream.linear.scatter [tilespmem:s28], [sflag:$0x7], $0x4000, $0x38;
	[tilespmem:$0x12000] =	vst v63  }
0xab: {  	_ =	swait.ge [sflag:s25], $0x4000  }
0xac: {  	[sflag:s25] =	ssyncset.done $0x0  }
0xad: {  	[sflag:s25] =	ssyncadd.s32 $0xFFFFC000  }
0xae: {  	v3 =	vld [tilespmem:s29+$0xFFFFFF80];
	_ =	sdelay $0x4  }
0xaf: {  	v63 =	vshll.u32 v3, $0x3  }
0xb0: {  	v3 =	vand.u32 $0x7, v3;
	v4 =	vand.u32 $0xFFFFFFC0, v63  }
0xb1: {  	v3 =	vor.u32 v3, v4  }
0xb2: {  	v4 =	vperm.xlane v3, v0;
	_ =	sdelay $0x1  }
0xb3: {  	v4 =	vadd.s32 v1, v4;
	_ =	sdelay $0x4  }
0xb4: {  	[tilespmem:s19], [sflag:$0x2] =	stream.indirect_vreg.gather [hbm4b:s1+s3], $0x80, v4, vm0, $0xb8;
	[tilespmem:$0x12000] =	vst v63  }
0xb5: {  	s0 =	simm.s32 $0x6800;
	v3 =	vperm.xlane v3, v2  }
0xb6: {  	[tilespmem:s0], [sflag:$0x2] =	stream.indirect_vreg.gather [hbm4b:s5+s3], $0x80, v4, vm0, $0xb8;
	[tilespmem:$0x12000] =	vst v63  }
0xb7: {  	v3 =	vadd.s32 v1, v3;
	s0 =	simm.s32 $0x7000  }
0xb8: {  	[tilespmem:s0], [sflag:$0x2] =	stream.indirect_vreg.gather [hbm4b:s6+s3], $0x80, v4, vm0, $0xb8;
	[tilespmem:$0x12000] =	vst v63  }
0xb9: {  	s0 =	simm.s32 $0x7800  }
0xba: {  	[tilespmem:s0], [sflag:$0x2] =	stream.indirect_vreg.gather [hbm4b:s7+s3], $0x80, v4, vm0, $0xb8;
	[tilespmem:$0x12000] =	vst v63  }
0xbb: {  	s0 =	simm.s32 $0x8000  }
0xbc: {  	[tilespmem:s0], [sflag:$0x2] =	stream.indirect_vreg.gather [hbm4b:s1+s3], $0x80, v3, vm0, $0xb8;
	[tilespmem:$0x12000] =	vst v63  }
0xbd: {  	s0 =	simm.s32 $0x8800  }
0xbe: {  	[tilespmem:s0], [sflag:$0x2] =	stream.indirect_vreg.gather [hbm4b:s5+s3], $0x80, v3, vm0, $0xb8;
	[tilespmem:$0x12000] =	vst v63  }
0xbf: {  	s0 =	simm.s32 $0x9000  }
0xc0: {  	[tilespmem:s0], [sflag:$0x2] =	stream.indirect_vreg.gather [hbm4b:s6+s3], $0x80, v3, vm0, $0xb8;
	[tilespmem:$0x12000] =	vst v63  }
0xc1: {  	s2 =	simm.s32 $0xA800;
	s0 =	simm.s32 $0x9800  }
0xc2: {  	[tilespmem:s0], [sflag:$0x2] =	stream.indirect_vreg.gather [hbm4b:s7+s3], $0x80, v3, vm0, $0xb8;
	[tilespmem:$0x12000] =	vst v63  }
.LBB2_5:
.Ltmp4:
0xc3: {  	(pc) =	sbr.rel @p0 .LBB2_7-.Ltmp4, $4  }
0xc4: {  	_ =	swait.ge [sflag:s23], $0x4000  }
0xc5: {  	[sflag:s23] =	ssyncset.done $0x0  }
0xc6: {  	s0 =	sadd.s32 $0x1800, s31;
	[sflag:s23] =	ssyncadd.s32 $0xFFFFC000  }
0xc7: {  	[hbm4b:s0+s3] =	stream.linear.scatter [tilespmem:s12], [sflag:$0x8], $0x4000, $0x38;
	[tilespmem:$0x12000] =	vst v63  }
0xc8: {  	_ =	swait.ge [sflag:s26], $0x4000  }
0xc9: {  	[sflag:s26] =	ssyncset.done $0x0  }
0xca: {  	[sflag:s26] =	ssyncadd.s32 $0xFFFFC000  }
0xcb: {  	v3 =	vld [tilespmem:s29+$0x0];
	_ =	sdelay $0x4  }
0xcc: {  	v4 =	vshll.u32 v3, $0x3  }
0xcd: {  	v3 =	vand.u32 $0x7, v3;
	v4 =	vand.u32 $0xFFFFFFC0, v4  }
0xce: {  	v3 =	vor.u32 v3, v4  }
0xcf: {  	v4 =	vperm.xlane v3, v0;
	_ =	sdelay $0x1  }
0xd0: {  	v4 =	vadd.s32 v1, v4;
	_ =	sdelay $0x4  }
0xd1: {  	[tilespmem:s28], [sflag:$0x3] =	stream.indirect_vreg.gather [hbm4b:s1+s3], $0x80, v4, vm0, $0xb8;
	[tilespmem:$0x12000] =	vst v63  }
0xd2: {  	v3 =	vperm.xlane v3, v2  }
0xd3: {  	[tilespmem:s2], [sflag:$0x3] =	stream.indirect_vreg.gather [hbm4b:s5+s3], $0x80, v4, vm0, $0xb8;
	[tilespmem:$0x12000] =	vst v63  }
0xd4: {  	s0 =	simm.s32 $0xB000;
	v3 =	vadd.s32 v1, v3  }
0xd5: {  	[tilespmem:s0], [sflag:$0x3] =	stream.indirect_vreg.gather [hbm4b:s6+s3], $0x80, v4, vm0, $0xb8;
	[tilespmem:$0x12000] =	vst v63  }
0xd6: {  	s31 =	simm.s32 $0xB800  }
0xd7: {  	[tilespmem:s31], [sflag:$0x3] =	stream.indirect_vreg.gather [hbm4b:s7+s3], $0x80, v4, vm0, $0xb8;
	[tilespmem:$0x12000] =	vst v63  }
0xd8: {  	s31 =	simm.s32 $0xC000  }
0xd9: {  	[tilespmem:s31], [sflag:$0x3] =	stream.indirect_vreg.gather [hbm4b:s1+s3], $0x80, v3, vm0, $0xb8;
	[tilespmem:$0x12000] =	vst v63  }
0xda: {  	s31 =	simm.s32 $0xC800  }
0xdb: {  	[tilespmem:s31], [sflag:$0x3] =	stream.indirect_vreg.gather [hbm4b:s5+s3], $0x80, v3, vm0, $0xb8;
	[tilespmem:$0x12000] =	vst v63  }
.Ltmp5:
0xdc: {  	_ = 	snop;
	(pc) =	sbr.rel .LBB2_2-.Ltmp5, $4  }
0xdd: {  	_ = 	snop  }
0xde: {  	[tilespmem:s4], [sflag:$0x3] =	stream.indirect_vreg.gather [hbm4b:s6+s3], $0x80, v3, vm0, $0xb8;
	[tilespmem:$0x12000] =	vst v63  }
0xdf: {  	s30 =	sadd.s32 $0x2000, s30;
	s29 =	sadd.s32 $0x200, s29  }
0xe0: {  	[tilespmem:s8], [sflag:$0x3] =	stream.indirect_vreg.gather [hbm4b:s7+s3], $0x80, v3, vm0, $0xb8;
	[tilespmem:$0x12000] =	vst v63  }
.LBB2_8:
0xe1: {  	_ =	sfence.sel $0x180000  }
0xe2: {  	[bflag:$0x0] =	sbarrier.arrive $0xFFFF  }
0xe3: {  	_ =	strace $0x90000047  }
0xe4: {  	s0 =	stileid.u32;
	[bflag:$0x2] =	sbarrier.arrive $0xFFFF  }
0xe5: {  	p0 =	sne.s32 s0, $0x0;
	s0 =	rddreg [dreg:$0x3]  }
0xe6: {  	s0 =	sadd.s32 @!p0 $0x100000, s0  }
0xe7: {  	[sflag:s0] =	ssyncadd.tile.s32 @!p0 $0x1;
	_ =	shalt  }
.Lfunc_end2:
_tile_overlayer_lowered:
.L_overlay_start_2:
0xe8: {  	(tag) =	ssettag $0x2  }
0xe9: {  	s0 =	rddreg [dreg:$0x0];
	s2 =	stileid.u32  }
0xea: {  	s1 =	rddreg [dreg:$0x1];
	p0 =	sne.s32 s2, $0x0  }
0xeb: {  	s3 =	rddreg [dreg:$0x2];
	[bflag:$0x3] =	sbarrier.arrive $0xFFFF;
	s2 =	simm.s32 @!p0 $0x1C09  }
0xec: {  	[timem:s3], [sflag:s2] =	dma.local @!p0 [hbm:s0], s1  }
0xed: {  	s0 =	simm.s32 @!p0 $0x9  }
0xee: {  	_ =	swait.ge @!p0 [sflag:s0], s1  }
0xef: {  	s1 =	ssub.s32 @!p0 $0x0, s1;
	[sflag:s0] =	ssyncset.done @!p0 $0x0  }
0xf0: {  	[sflag:s0] =	ssyncadd.s32 @!p0 s1  }
0xf1: {  	[bflag:$0x3] =	sbarrier.arrive $0xFFFF  }
0xf2: {  	_ =	shalt  }

</sc_bundles>
